<compile_context>
chip_gen: v7x
topology: tpu7x:2x2x1
jax: 0.10.2.dev20260603
libtpu: 0.0.44.dev20260713+nightly
codegen_flags: <defaults>
</compile_context>

<pallas_src>
import functools

import jax
import jax.numpy as jnp
from jax import lax
from jax.experimental import pallas as pl
from jax.experimental.pallas import tpu as pltpu
from jax.experimental.pallas import tpu_sc as plsc

EMBED_DIM = 64
SZ0 = 104
SZ1 = 96
NBUF = 4
BUFS = 2 * NBUF
NUM_CORES = 2
NUM_SUBCORES = 16
NUM_WORKERS = NUM_CORES * NUM_SUBCORES


def _sz(i):
    return SZ0 if i % 2 == 0 else SZ1


def _off(i):
    return 0 if i % 2 == 0 else SZ0


@functools.lru_cache(maxsize=None)
def _build_gather(batch: int, hist: int):
    rows_per_worker = batch // NUM_WORKERS
    nchunk = rows_per_worker * 2
    assert hist == SZ0 + SZ1 and nchunk % BUFS == 0
    mesh = plsc.VectorSubcoreMesh(core_axis_name="c", subcore_axis_name="s")

    @functools.partial(
        pl.kernel,
        mesh=mesh,
        out_type=jax.ShapeDtypeStruct((batch, hist, EMBED_DIM), jnp.float32),
        scratch_types=[
            pltpu.VMEM((rows_per_worker, hist), jnp.int32),
            pltpu.VMEM((BUFS, SZ0, EMBED_DIM), jnp.float32),
            pltpu.SemaphoreType.DMA((BUFS,)),
            pltpu.SemaphoreType.DMA((BUFS,)),
        ],
        compiler_params=pltpu.CompilerParams(use_tc_tiling_on_sc=False),
    )
    def gather_kernel(idx_hbm, table_hbm, out_hbm, idx_v, rows_v, gsem, wsem):
        wid = lax.axis_index("c") * NUM_SUBCORES + lax.axis_index("s")
        bbase = wid * rows_per_worker

        pltpu.sync_copy(idx_hbm.at[pl.ds(bbase, rows_per_worker)], idx_v)

        def start_gather(r, i, b):
            pltpu.async_copy(
                table_hbm.at[idx_v.at[r, pl.ds(_off(i), _sz(i))]],
                rows_v.at[b, pl.ds(0, _sz(i))],
                gsem.at[b],
            )

        for b in range(NBUF):
            start_gather(b // 2, b, b)

        def body(jj, carry):
            for i in range(BUFS):
                c = jj * BUFS + i
                r = jj * (BUFS // 2) + i // 2
                pltpu.make_async_copy(
                    table_hbm.at[pl.ds(0, _sz(i))],
                    rows_v.at[i, pl.ds(0, _sz(i))],
                    gsem.at[i],
                ).wait()
                pltpu.async_copy(
                    rows_v.at[i, pl.ds(0, _sz(i))],
                    out_hbm.at[bbase + r, pl.ds(_off(i), _sz(i))],
                    wsem.at[i],
                )
                bn = (i + NBUF) % BUFS
                nxt = c + NBUF

                @pl.when(c >= NBUF)
                def _drain():
                    pltpu.make_async_copy(
                        rows_v.at[bn, pl.ds(0, _sz(i))],
                        out_hbm.at[0, pl.ds(0, _sz(i))],
                        wsem.at[bn],
                    ).wait()

                @pl.when(nxt < nchunk)
                def _next():
                    start_gather(jj * (BUFS // 2) + (i + NBUF) // 2, i, bn)

            return carry

        lax.fori_loop(0, nchunk // BUFS, body, 0)

        for k in range(NBUF):
            b = (nchunk - NBUF + k) % BUFS
            pltpu.make_async_copy(
                rows_v.at[b, pl.ds(0, _sz(b))],
                out_hbm.at[0, pl.ds(0, _sz(b))],
                wsem.at[b],
            ).wait()

    return gather_kernel


def kernel(token_ids, embeddings):
    b, h = token_ids.shape
    return _build_gather(b, h)(token_ids.astype(jnp.int32), embeddings)

# --- scband reference (transcript-rebuilt; emitter-appended) ---
"""Pipeline reference for scband-embedding-20126216749076 (READ-ONLY COPY).

The authoritative reference and input builder live on the scoring server;
editing this copy changes nothing except your own understanding.
"""

import jax, jax.numpy as jnp
import numpy as np
import math

NUM_EMBEDDINGS = 1000000
EMBEDDING_DIM = 64
BATCH = 4096
HIST_LEN = 200

def setup_inputs(seed: int = 0) -> dict:
    key = jax.random.key(seed)
    k1, k2 = jax.random.split(key)
    token_ids = jax.random.randint(k1, (BATCH, HIST_LEN), 0, NUM_EMBEDDINGS, dtype=jnp.int64 if jax.config.jax_enable_x64 else jnp.int32)
    std = 1.0 / math.sqrt(EMBEDDING_DIM)
    # truncated normal init with std = 1/sqrt(d_model), truncated at +/- 2 std
    embeddings = jax.random.truncated_normal(k2, -2.0, 2.0, (NUM_EMBEDDINGS, EMBEDDING_DIM), dtype=jnp.float32) * std
    return {"token_ids": token_ids, "embeddings": embeddings}

def reference(token_ids, embeddings):
    # Faithful translation of Embedding.forward: embeddings[token_ids]
    return jnp.take(embeddings, token_ids, axis=0)

if __name__ == "__main__":
    import jax
    _d = setup_inputs()
    print(jax.jit(kernel)(*tuple(_d.values())))

</pallas_src>

<mosaic_0001>
#map = affine_map<(d0, d1) -> (0, 0)>
#map1 = affine_map<(d0, d1) -> (0, 0, 0)>
module attributes {stable_mosaic.version = 14 : i64} {
  func.func @gather_kernel(%arg0: i32, %arg1: i32, %arg2: memref<4096x200xi32, #tpu.memory_space<hbm>>, %arg3: memref<1000000x64xf32, #tpu.memory_space<hbm>>, %arg4: memref<4096x200x64xf32, #tpu.memory_space<hbm>>, %arg5: memref<128x200xi32, #tpu.memory_space<vmem>>, %arg6: memref<8x104x64xf32, #tpu.memory_space<vmem>>, %arg7: memref<8x!tpu.dma_semaphore, #tpu.memory_space<semaphore_mem>>, %arg8: memref<8x!tpu.dma_semaphore, #tpu.memory_space<semaphore_mem>>) attributes {dimension_semantics = [#tpu.dimension_semantics<core_parallel>, #tpu.dimension_semantics<subcore_parallel>], iteration_bounds = array<i64: 2, 16>, scalar_prefetch = 0 : i64, scratch_operands = 4 : i64, tpu.core_type = #tpu.core_type<sc_vector_subcore>, window_params = [{transform_indices = #map}, {transform_indices = #map}, {transform_indices = #map1}]} {
    %mul3A = arith.constant 16 : i32
    %mul3A_0 = arith.muli %arg0, %mul3A : i32
    %add3A = arith.addi %mul3A_0, %arg1 : i32
    %mul3A_1 = arith.constant 128 : i32
    %mul3A_2 = arith.muli %add3A, %mul3A_1 : i32
    "tpu.region"() ({
      %run_scoped3A = tpu.sem_alloc : memref<!tpu.dma_semaphore, #tpu.memory_space<semaphore_mem>>
      %dma_start3A_150 = arith.constant 0 : i32
      %dma_start3A_151 = tpu.memref_slice %arg2[%mul3A_2, %dma_start3A_150] : memref<4096x200xi32, #tpu.memory_space<hbm>> -> memref<128x200xi32, #tpu.memory_space<hbm>>
      %dma_start3A_152 = arith.constant 0 : i32
      %dma_start3A_153 = tpu.memref_slice %arg2[%mul3A_2, %dma_start3A_152] : memref<4096x200xi32, #tpu.memory_space<hbm>> -> memref<128x200xi32, #tpu.memory_space<hbm>>
      tpu.enqueue_dma source(%dma_start3A_153 : memref<128x200xi32, #tpu.memory_space<hbm>>) target(%arg5 : memref<128x200xi32, #tpu.memory_space<vmem>>) target_semaphore(%run_scoped3A : memref<!tpu.dma_semaphore, #tpu.memory_space<semaphore_mem>>)
      %dma_wait3A_154 = arith.constant 0 : i32
      %dma_wait3A_155 = tpu.memref_slice %arg2[%mul3A_2, %dma_wait3A_154] : memref<4096x200xi32, #tpu.memory_space<hbm>> -> memref<128x200xi32, #tpu.memory_space<hbm>>
      %dma_wait3A_156 = arith.constant 0 : i32
      %dma_wait3A_157 = tpu.memref_slice %arg2[%mul3A_2, %dma_wait3A_156] : memref<4096x200xi32, #tpu.memory_space<hbm>> -> memref<128x200xi32, #tpu.memory_space<hbm>>
      tpu.wait_dma2 semaphore(%run_scoped3A : memref<!tpu.dma_semaphore, #tpu.memory_space<semaphore_mem>>) src(%dma_wait3A_157 : memref<128x200xi32, #tpu.memory_space<hbm>>) dst(%arg5 : memref<128x200xi32, #tpu.memory_space<vmem>>)
      tpu.yield
    }) : () -> ()
    %dma_start3A = arith.constant 0 : i32
    %dma_start3A_3 = arith.constant 0 : i32
    %dma_start3A_4 = arith.constant 0 : i32
    %dma_start3A_5 = arith.constant 0 : i32
    %dma_start3A_6 = arith.constant 0 : i32
    %dma_start3A_7 = tpu.memref_slice %arg6[%dma_start3A_3, %dma_start3A_5, %dma_start3A_6] : memref<8x104x64xf32, #tpu.memory_space<vmem>> -> memref<1x104x64xf32, #tpu.memory_space<vmem>>
    %dma_start3A_8 = tpu.memref_squeeze %dma_start3A_7 : memref<1x104x64xf32, #tpu.memory_space<vmem>> -> memref<104x64xf32, #tpu.memory_space<vmem>>
    %dma_start3A_9 = arith.constant 0 : i32
    %dma_start3A_10 = tpu.memref_slice %arg5[%dma_start3A, %dma_start3A_9] : memref<128x200xi32, #tpu.memory_space<vmem>> -> memref<1x104xi32, #tpu.memory_space<vmem>>
    %dma_start3A_11 = tpu.memref_squeeze %dma_start3A_10 : memref<1x104xi32, #tpu.memory_space<vmem>> -> memref<104xi32, #tpu.memory_space<vmem>>
    %dma_start3A_12 = arith.constant 0 : i32
    %dma_start3A_13 = arith.constant 0 : i32
    %dma_start3A_14 = tpu.memref_slice %arg3[%dma_start3A_12, %dma_start3A_13] : memref<1000000x64xf32, #tpu.memory_space<hbm>> -> memref<1000000x64xf32, #tpu.memory_space<hbm>>
    %dma_start3A_15 = tpu.memref_slice %arg7[%dma_start3A_4] : memref<8x!tpu.dma_semaphore, #tpu.memory_space<semaphore_mem>> -> memref<1x!tpu.dma_semaphore, #tpu.memory_space<semaphore_mem>>
    %dma_start3A_16 = tpu.memref_squeeze %dma_start3A_15 : memref<1x!tpu.dma_semaphore, #tpu.memory_space<semaphore_mem>> -> memref<!tpu.dma_semaphore, #tpu.memory_space<semaphore_mem>>
    tpu.enqueue_indirect_dma source(%dma_start3A_14 : memref<1000000x64xf32, #tpu.memory_space<hbm>>) target(%dma_start3A_8 : memref<104x64xf32, #tpu.memory_space<vmem>>) offsets(%dma_start3A_11 : memref<104xi32, #tpu.memory_space<vmem>>) semaphore(%dma_start3A_16 : memref<!tpu.dma_semaphore, #tpu.memory_space<semaphore_mem>>)
    %dma_start3A_17 = arith.constant 0 : i32
    %dma_start3A_18 = arith.constant 1 : i32
    %dma_start3A_19 = arith.constant 1 : i32
    %dma_start3A_20 = arith.constant 0 : i32
    %dma_start3A_21 = arith.constant 0 : i32
    %dma_start3A_22 = tpu.memref_slice %arg6[%dma_start3A_18, %dma_start3A_20, %dma_start3A_21] : memref<8x104x64xf32, #tpu.memory_space<vmem>> -> memref<1x96x64xf32, #tpu.memory_space<vmem>>
    %dma_start3A_23 = tpu.memref_squeeze %dma_start3A_22 : memref<1x96x64xf32, #tpu.memory_space<vmem>> -> memref<96x64xf32, #tpu.memory_space<vmem>>
    %dma_start3A_24 = arith.constant 104 : i32
    %dma_start3A_25 = tpu.memref_slice %arg5[%dma_start3A_17, %dma_start3A_24] : memref<128x200xi32, #tpu.memory_space<vmem>> -> memref<1x96xi32, #tpu.memory_space<vmem>>
    %dma_start3A_26 = tpu.memref_squeeze %dma_start3A_25 : memref<1x96xi32, #tpu.memory_space<vmem>> -> memref<96xi32, #tpu.memory_space<vmem>>
    %dma_start3A_27 = arith.constant 0 : i32
    %dma_start3A_28 = arith.constant 0 : i32
    %dma_start3A_29 = tpu.memref_slice %arg3[%dma_start3A_27, %dma_start3A_28] : memref<1000000x64xf32, #tpu.memory_space<hbm>> -> memref<1000000x64xf32, #tpu.memory_space<hbm>>
    %dma_start3A_30 = tpu.memref_slice %arg7[%dma_start3A_19] : memref<8x!tpu.dma_semaphore, #tpu.memory_space<semaphore_mem>> -> memref<1x!tpu.dma_semaphore, #tpu.memory_space<semaphore_mem>>
    %dma_start3A_31 = tpu.memref_squeeze %dma_start3A_30 : memref<1x!tpu.dma_semaphore, #tpu.memory_space<semaphore_mem>> -> memref<!tpu.dma_semaphore, #tpu.memory_space<semaphore_mem>>
    tpu.enqueue_indirect_dma source(%dma_start3A_29 : memref<1000000x64xf32, #tpu.memory_space<hbm>>) target(%dma_start3A_23 : memref<96x64xf32, #tpu.memory_space<vmem>>) offsets(%dma_start3A_26 : memref<96xi32, #tpu.memory_space<vmem>>) semaphore(%dma_start3A_31 : memref<!tpu.dma_semaphore, #tpu.memory_space<semaphore_mem>>)
    %dma_start3A_32 = arith.constant 1 : i32
    %dma_start3A_33 = arith.constant 2 : i32
    %dma_start3A_34 = arith.constant 2 : i32
    %dma_start3A_35 = arith.constant 0 : i32
    %dma_start3A_36 = arith.constant 0 : i32
    %dma_start3A_37 = tpu.memref_slice %arg6[%dma_start3A_33, %dma_start3A_35, %dma_start3A_36] : memref<8x104x64xf32, #tpu.memory_space<vmem>> -> memref<1x104x64xf32, #tpu.memory_space<vmem>>
    %dma_start3A_38 = tpu.memref_squeeze %dma_start3A_37 : memref<1x104x64xf32, #tpu.memory_space<vmem>> -> memref<104x64xf32, #tpu.memory_space<vmem>>
    %dma_start3A_39 = arith.constant 0 : i32
    %dma_start3A_40 = tpu.memref_slice %arg5[%dma_start3A_32, %dma_start3A_39] : memref<128x200xi32, #tpu.memory_space<vmem>> -> memref<1x104xi32, #tpu.memory_space<vmem>>
    %dma_start3A_41 = tpu.memref_squeeze %dma_start3A_40 : memref<1x104xi32, #tpu.memory_space<vmem>> -> memref<104xi32, #tpu.memory_space<vmem>>
    %dma_start3A_42 = arith.constant 0 : i32
    %dma_start3A_43 = arith.constant 0 : i32
    %dma_start3A_44 = tpu.memref_slice %arg3[%dma_start3A_42, %dma_start3A_43] : memref<1000000x64xf32, #tpu.memory_space<hbm>> -> memref<1000000x64xf32, #tpu.memory_space<hbm>>
    %dma_start3A_45 = tpu.memref_slice %arg7[%dma_start3A_34] : memref<8x!tpu.dma_semaphore, #tpu.memory_space<semaphore_mem>> -> memref<1x!tpu.dma_semaphore, #tpu.memory_space<semaphore_mem>>
    %dma_start3A_46 = tpu.memref_squeeze %dma_start3A_45 : memref<1x!tpu.dma_semaphore, #tpu.memory_space<semaphore_mem>> -> memref<!tpu.dma_semaphore, #tpu.memory_space<semaphore_mem>>
    tpu.enqueue_indirect_dma source(%dma_start3A_44 : memref<1000000x64xf32, #tpu.memory_space<hbm>>) target(%dma_start3A_38 : memref<104x64xf32, #tpu.memory_space<vmem>>) offsets(%dma_start3A_41 : memref<104xi32, #tpu.memory_space<vmem>>) semaphore(%dma_start3A_46 : memref<!tpu.dma_semaphore, #tpu.memory_space<semaphore_mem>>)
    %dma_start3A_47 = arith.constant 1 : i32
    %dma_start3A_48 = arith.constant 3 : i32
    %dma_start3A_49 = arith.constant 3 : i32
    %dma_start3A_50 = arith.constant 0 : i32
    %dma_start3A_51 = arith.constant 0 : i32
    %dma_start3A_52 = tpu.memref_slice %arg6[%dma_start3A_48, %dma_start3A_50, %dma_start3A_51] : memref<8x104x64xf32, #tpu.memory_space<vmem>> -> memref<1x96x64xf32, #tpu.memory_space<vmem>>
    %dma_start3A_53 = tpu.memref_squeeze %dma_start3A_52 : memref<1x96x64xf32, #tpu.memory_space<vmem>> -> memref<96x64xf32, #tpu.memory_space<vmem>>
    %dma_start3A_54 = arith.constant 104 : i32
    %dma_start3A_55 = tpu.memref_slice %arg5[%dma_start3A_47, %dma_start3A_54] : memref<128x200xi32, #tpu.memory_space<vmem>> -> memref<1x96xi32, #tpu.memory_space<vmem>>
    %dma_start3A_56 = tpu.memref_squeeze %dma_start3A_55 : memref<1x96xi32, #tpu.memory_space<vmem>> -> memref<96xi32, #tpu.memory_space<vmem>>
    %dma_start3A_57 = arith.constant 0 : i32
    %dma_start3A_58 = arith.constant 0 : i32
    %dma_start3A_59 = tpu.memref_slice %arg3[%dma_start3A_57, %dma_start3A_58] : memref<1000000x64xf32, #tpu.memory_space<hbm>> -> memref<1000000x64xf32, #tpu.memory_space<hbm>>
    %dma_start3A_60 = tpu.memref_slice %arg7[%dma_start3A_49] : memref<8x!tpu.dma_semaphore, #tpu.memory_space<semaphore_mem>> -> memref<1x!tpu.dma_semaphore, #tpu.memory_space<semaphore_mem>>
    %dma_start3A_61 = tpu.memref_squeeze %dma_start3A_60 : memref<1x!tpu.dma_semaphore, #tpu.memory_space<semaphore_mem>> -> memref<!tpu.dma_semaphore, #tpu.memory_space<semaphore_mem>>
    tpu.enqueue_indirect_dma source(%dma_start3A_59 : memref<1000000x64xf32, #tpu.memory_space<hbm>>) target(%dma_start3A_53 : memref<96x64xf32, #tpu.memory_space<vmem>>) offsets(%dma_start3A_56 : memref<96xi32, #tpu.memory_space<vmem>>) semaphore(%dma_start3A_61 : memref<!tpu.dma_semaphore, #tpu.memory_space<semaphore_mem>>)
    %scan3A = arith.constant 0 : i32
    %scan3A_62 = arith.constant 0 : i32
    %scan3A_63 = arith.constant 32 : i32
    %scan3A_64 = arith.addi %scan3A_62, %scan3A_63 : i32
    %scan3A_65 = arith.constant 1 : i32
    scf.for %scan3A_150 = %scan3A_62 to %scan3A_64 step %scan3A_65  : i32 {
      %mul3A_151 = arith.constant 8 : i32
      %mul3A_152 = arith.muli %scan3A_150, %mul3A_151 : i32
      %add3A_153 = arith.constant 0 : i32
      %add3A_154 = arith.addi %mul3A_152, %add3A_153 : i32
      %mul3A_155 = arith.constant 4 : i32
      %mul3A_156 = arith.muli %scan3A_150, %mul3A_155 : i32
      %add3A_157 = arith.constant 0 : i32
      %add3A_158 = arith.addi %mul3A_156, %add3A_157 : i32
      %dma_wait3A_159 = arith.constant 0 : i32
      %dma_wait3A_160 = arith.constant 0 : i32
      %dma_wait3A_161 = arith.constant 0 : i32
      %dma_wait3A_162 = arith.constant 0 : i32
      %dma_wait3A_163 = tpu.memref_slice %arg6[%dma_wait3A_159, %dma_wait3A_161, %dma_wait3A_162] : memref<8x104x64xf32, #tpu.memory_space<vmem>> -> memref<1x104x64xf32, #tpu.memory_space<vmem>>
      %dma_wait3A_164 = tpu.memref_squeeze %dma_wait3A_163 : memref<1x104x64xf32, #tpu.memory_space<vmem>> -> memref<104x64xf32, #tpu.memory_space<vmem>>
      %dma_wait3A_165 = arith.constant 0 : i32
      %dma_wait3A_166 = arith.constant 0 : i32
      %dma_wait3A_167 = tpu.memref_slice %arg3[%dma_wait3A_165, %dma_wait3A_166] : memref<1000000x64xf32, #tpu.memory_space<hbm>> -> memref<104x64xf32, #tpu.memory_space<hbm>>
      %dma_wait3A_168 = tpu.memref_slice %arg7[%dma_wait3A_160] : memref<8x!tpu.dma_semaphore, #tpu.memory_space<semaphore_mem>> -> memref<1x!tpu.dma_semaphore, #tpu.memory_space<semaphore_mem>>
      %dma_wait3A_169 = tpu.memref_squeeze %dma_wait3A_168 : memref<1x!tpu.dma_semaphore, #tpu.memory_space<semaphore_mem>> -> memref<!tpu.dma_semaphore, #tpu.memory_space<semaphore_mem>>
      %dma_wait3A_170 = arith.constant 0 : i32
      %dma_wait3A_171 = arith.constant 0 : i32
      %dma_wait3A_172 = tpu.memref_slice %arg6[%dma_wait3A_159, %dma_wait3A_170, %dma_wait3A_171] : memref<8x104x64xf32, #tpu.memory_space<vmem>> -> memref<1x104x64xf32, #tpu.memory_space<vmem>>
      %dma_wait3A_173 = tpu.memref_squeeze %dma_wait3A_172 : memref<1x104x64xf32, #tpu.memory_space<vmem>> -> memref<104x64xf32, #tpu.memory_space<vmem>>
      %dma_wait3A_174 = arith.constant 0 : i32
      %dma_wait3A_175 = arith.constant 0 : i32
      %dma_wait3A_176 = tpu.memref_slice %arg3[%dma_wait3A_174, %dma_wait3A_175] : memref<1000000x64xf32, #tpu.memory_space<hbm>> -> memref<104x64xf32, #tpu.memory_space<hbm>>
      tpu.wait_dma2 semaphore(%dma_wait3A_169 : memref<!tpu.dma_semaphore, #tpu.memory_space<semaphore_mem>>) src(%dma_wait3A_176 : memref<104x64xf32, #tpu.memory_space<hbm>>) dst(%dma_wait3A_173 : memref<104x64xf32, #tpu.memory_space<vmem>>)
      %add3A_177 = arith.addi %mul3A_2, %add3A_158 : i32
      %dma_start3A_178 = arith.constant 0 : i32
      %dma_start3A_179 = arith.constant 0 : i32
      %dma_start3A_180 = arith.constant 0 : i32
      %dma_start3A_181 = arith.constant 0 : i32
      %dma_start3A_182 = tpu.memref_slice %arg6[%dma_start3A_178, %dma_start3A_180, %dma_start3A_181] : memref<8x104x64xf32, #tpu.memory_space<vmem>> -> memref<1x104x64xf32, #tpu.memory_space<vmem>>
      %dma_start3A_183 = tpu.memref_squeeze %dma_start3A_182 : memref<1x104x64xf32, #tpu.memory_space<vmem>> -> memref<104x64xf32, #tpu.memory_space<vmem>>
      %dma_start3A_184 = arith.constant 0 : i32
      %dma_start3A_185 = arith.constant 0 : i32
      %dma_start3A_186 = tpu.memref_slice %arg4[%add3A_177, %dma_start3A_184, %dma_start3A_185] : memref<4096x200x64xf32, #tpu.memory_space<hbm>> -> memref<1x104x64xf32, #tpu.memory_space<hbm>>
      %dma_start3A_187 = tpu.memref_squeeze %dma_start3A_186 : memref<1x104x64xf32, #tpu.memory_space<hbm>> -> memref<104x64xf32, #tpu.memory_space<hbm>>
      %dma_start3A_188 = tpu.memref_slice %arg8[%dma_start3A_179] : memref<8x!tpu.dma_semaphore, #tpu.memory_space<semaphore_mem>> -> memref<1x!tpu.dma_semaphore, #tpu.memory_space<semaphore_mem>>
      %dma_start3A_189 = tpu.memref_squeeze %dma_start3A_188 : memref<1x!tpu.dma_semaphore, #tpu.memory_space<semaphore_mem>> -> memref<!tpu.dma_semaphore, #tpu.memory_space<semaphore_mem>>
      %dma_start3A_190 = arith.constant 0 : i32
      %dma_start3A_191 = arith.constant 0 : i32
      %dma_start3A_192 = tpu.memref_slice %arg4[%add3A_177, %dma_start3A_190, %dma_start3A_191] : memref<4096x200x64xf32, #tpu.memory_space<hbm>> -> memref<1x104x64xf32, #tpu.memory_space<hbm>>
      %dma_start3A_193 = tpu.memref_squeeze %dma_start3A_192 : memref<1x104x64xf32, #tpu.memory_space<hbm>> -> memref<104x64xf32, #tpu.memory_space<hbm>>
      %dma_start3A_194 = arith.constant 0 : i32
      %dma_start3A_195 = arith.constant 0 : i32
      %dma_start3A_196 = tpu.memref_slice %arg6[%dma_start3A_178, %dma_start3A_194, %dma_start3A_195] : memref<8x104x64xf32, #tpu.memory_space<vmem>> -> memref<1x104x64xf32, #tpu.memory_space<vmem>>
      %dma_start3A_197 = tpu.memref_squeeze %dma_start3A_196 : memref<1x104x64xf32, #tpu.memory_space<vmem>> -> memref<104x64xf32, #tpu.memory_space<vmem>>
      tpu.enqueue_dma source(%dma_start3A_197 : memref<104x64xf32, #tpu.memory_space<vmem>>) target(%dma_start3A_193 : memref<104x64xf32, #tpu.memory_space<hbm>>) target_semaphore(%dma_start3A_189 : memref<!tpu.dma_semaphore, #tpu.memory_space<semaphore_mem>>)
      %add3A_198 = arith.constant 4 : i32
      %add3A_199 = arith.addi %add3A_154, %add3A_198 : i32
      %ge3A = arith.constant 4 : i32
      %ge3A_200 = arith.cmpi sge, %add3A_154, %ge3A : i32
      %convert_element_type3A = arith.extui %ge3A_200 : i1 to i32
      %cond3A = arith.constant 0 : i32
      %cond3A_201 = arith.cmpi ne, %convert_element_type3A, %cond3A : i32
      scf.if %cond3A_201 {
        %dma_wait3A_619 = arith.constant 4 : i32
        %dma_wait3A_620 = arith.constant 0 : i32
        %dma_wait3A_621 = arith.constant 4 : i32
        %dma_wait3A_622 = arith.constant 0 : i32
        %dma_wait3A_623 = arith.constant 0 : i32
        %dma_wait3A_624 = tpu.memref_slice %arg6[%dma_wait3A_619, %dma_wait3A_622, %dma_wait3A_623] : memref<8x104x64xf32, #tpu.memory_space<vmem>> -> memref<1x104x64xf32, #tpu.memory_space<vmem>>
        %dma_wait3A_625 = tpu.memref_squeeze %dma_wait3A_624 : memref<1x104x64xf32, #tpu.memory_space<vmem>> -> memref<104x64xf32, #tpu.memory_space<vmem>>
        %dma_wait3A_626 = arith.constant 0 : i32
        %dma_wait3A_627 = arith.constant 0 : i32
        %dma_wait3A_628 = tpu.memref_slice %arg4[%dma_wait3A_620, %dma_wait3A_626, %dma_wait3A_627] : memref<4096x200x64xf32, #tpu.memory_space<hbm>> -> memref<1x104x64xf32, #tpu.memory_space<hbm>>
        %dma_wait3A_629 = tpu.memref_squeeze %dma_wait3A_628 : memref<1x104x64xf32, #tpu.memory_space<hbm>> -> memref<104x64xf32, #tpu.memory_space<hbm>>
        %dma_wait3A_630 = tpu.memref_slice %arg8[%dma_wait3A_621] : memref<8x!tpu.dma_semaphore, #tpu.memory_space<semaphore_mem>> -> memref<1x!tpu.dma_semaphore, #tpu.memory_space<semaphore_mem>>
        %dma_wait3A_631 = tpu.memref_squeeze %dma_wait3A_630 : memref<1x!tpu.dma_semaphore, #tpu.memory_space<semaphore_mem>> -> memref<!tpu.dma_semaphore, #tpu.memory_space<semaphore_mem>>
        %dma_wait3A_632 = arith.constant 0 : i32
        %dma_wait3A_633 = arith.constant 0 : i32
        %dma_wait3A_634 = tpu.memref_slice %arg4[%dma_wait3A_620, %dma_wait3A_632, %dma_wait3A_633] : memref<4096x200x64xf32, #tpu.memory_space<hbm>> -> memref<1x104x64xf32, #tpu.memory_space<hbm>>
        %dma_wait3A_635 = tpu.memref_squeeze %dma_wait3A_634 : memref<1x104x64xf32, #tpu.memory_space<hbm>> -> memref<104x64xf32, #tpu.memory_space<hbm>>
        %dma_wait3A_636 = arith.constant 0 : i32
        %dma_wait3A_637 = arith.constant 0 : i32
        %dma_wait3A_638 = tpu.memref_slice %arg6[%dma_wait3A_619, %dma_wait3A_636, %dma_wait3A_637] : memref<8x104x64xf32, #tpu.memory_space<vmem>> -> memref<1x104x64xf32, #tpu.memory_space<vmem>>
        %dma_wait3A_639 = tpu.memref_squeeze %dma_wait3A_638 : memref<1x104x64xf32, #tpu.memory_space<vmem>> -> memref<104x64xf32, #tpu.memory_space<vmem>>
        tpu.wait_dma2 semaphore(%dma_wait3A_631 : memref<!tpu.dma_semaphore, #tpu.memory_space<semaphore_mem>>) src(%dma_wait3A_639 : memref<104x64xf32, #tpu.memory_space<vmem>>) dst(%dma_wait3A_635 : memref<104x64xf32, #tpu.memory_space<hbm>>)
      } else {
      }
      %lt3A = arith.constant 256 : i32
      %lt3A_202 = arith.cmpi slt, %add3A_199, %lt3A : i32
      %convert_element_type3A_203 = arith.extui %lt3A_202 : i1 to i32
      %cond3A_204 = arith.constant 0 : i32
      %cond3A_205 = arith.cmpi ne, %convert_element_type3A_203, %cond3A_204 : i32
      scf.if %cond3A_205 {
        %mul3A_619 = arith.constant 4 : i32
        %mul3A_620 = arith.muli %scan3A_150, %mul3A_619 : i32
        %add3A_621 = arith.constant 2 : i32
        %add3A_622 = arith.addi %mul3A_620, %add3A_621 : i32
        %dma_start3A_623 = arith.constant 4 : i32
        %dma_start3A_624 = arith.constant 4 : i32
        %dma_start3A_625 = arith.constant 0 : i32
        %dma_start3A_626 = arith.constant 0 : i32
        %dma_start3A_627 = tpu.memref_slice %arg6[%dma_start3A_623, %dma_start3A_625, %dma_start3A_626] : memref<8x104x64xf32, #tpu.memory_space<vmem>> -> memref<1x104x64xf32, #tpu.memory_space<vmem>>
        %dma_start3A_628 = tpu.memref_squeeze %dma_start3A_627 : memref<1x104x64xf32, #tpu.memory_space<vmem>> -> memref<104x64xf32, #tpu.memory_space<vmem>>
        %dma_start3A_629 = arith.constant 0 : i32
        %dma_start3A_630 = tpu.memref_slice %arg5[%add3A_622, %dma_start3A_629] : memref<128x200xi32, #tpu.memory_space<vmem>> -> memref<1x104xi32, #tpu.memory_space<vmem>>
        %dma_start3A_631 = tpu.memref_squeeze %dma_start3A_630 : memref<1x104xi32, #tpu.memory_space<vmem>> -> memref<104xi32, #tpu.memory_space<vmem>>
        %dma_start3A_632 = arith.constant 0 : i32
        %dma_start3A_633 = arith.constant 0 : i32
        %dma_start3A_634 = tpu.memref_slice %arg3[%dma_start3A_632, %dma_start3A_633] : memref<1000000x64xf32, #tpu.memory_space<hbm>> -> memref<1000000x64xf32, #tpu.memory_space<hbm>>
        %dma_start3A_635 = tpu.memref_slice %arg7[%dma_start3A_624] : memref<8x!tpu.dma_semaphore, #tpu.memory_space<semaphore_mem>> -> memref<1x!tpu.dma_semaphore, #tpu.memory_space<semaphore_mem>>
        %dma_start3A_636 = tpu.memref_squeeze %dma_start3A_635 : memref<1x!tpu.dma_semaphore, #tpu.memory_space<semaphore_mem>> -> memref<!tpu.dma_semaphore, #tpu.memory_space<semaphore_mem>>
        tpu.enqueue_indirect_dma source(%dma_start3A_634 : memref<1000000x64xf32, #tpu.memory_space<hbm>>) target(%dma_start3A_628 : memref<104x64xf32, #tpu.memory_space<vmem>>) offsets(%dma_start3A_631 : memref<104xi32, #tpu.memory_space<vmem>>) semaphore(%dma_start3A_636 : memref<!tpu.dma_semaphore, #tpu.memory_space<semaphore_mem>>)
      } else {
      }
      %mul3A_206 = arith.constant 8 : i32
      %mul3A_207 = arith.muli %scan3A_150, %mul3A_206 : i32
      %add3A_208 = arith.constant 1 : i32
      %add3A_209 = arith.addi %mul3A_207, %add3A_208 : i32
      %mul3A_210 = arith.constant 4 : i32
      %mul3A_211 = arith.muli %scan3A_150, %mul3A_210 : i32
      %add3A_212 = arith.constant 0 : i32
      %add3A_213 = arith.addi %mul3A_211, %add3A_212 : i32
      %dma_wait3A_214 = arith.constant 1 : i32
      %dma_wait3A_215 = arith.constant 1 : i32
      %dma_wait3A_216 = arith.constant 0 : i32
      %dma_wait3A_217 = arith.constant 0 : i32
      %dma_wait3A_218 = tpu.memref_slice %arg6[%dma_wait3A_214, %dma_wait3A_216, %dma_wait3A_217] : memref<8x104x64xf32, #tpu.memory_space<vmem>> -> memref<1x96x64xf32, #tpu.memory_space<vmem>>
      %dma_wait3A_219 = tpu.memref_squeeze %dma_wait3A_218 : memref<1x96x64xf32, #tpu.memory_space<vmem>> -> memref<96x64xf32, #tpu.memory_space<vmem>>
      %dma_wait3A_220 = arith.constant 0 : i32
      %dma_wait3A_221 = arith.constant 0 : i32
      %dma_wait3A_222 = tpu.memref_slice %arg3[%dma_wait3A_220, %dma_wait3A_221] : memref<1000000x64xf32, #tpu.memory_space<hbm>> -> memref<96x64xf32, #tpu.memory_space<hbm>>
      %dma_wait3A_223 = tpu.memref_slice %arg7[%dma_wait3A_215] : memref<8x!tpu.dma_semaphore, #tpu.memory_space<semaphore_mem>> -> memref<1x!tpu.dma_semaphore, #tpu.memory_space<semaphore_mem>>
      %dma_wait3A_224 = tpu.memref_squeeze %dma_wait3A_223 : memref<1x!tpu.dma_semaphore, #tpu.memory_space<semaphore_mem>> -> memref<!tpu.dma_semaphore, #tpu.memory_space<semaphore_mem>>
      %dma_wait3A_225 = arith.constant 0 : i32
      %dma_wait3A_226 = arith.constant 0 : i32
      %dma_wait3A_227 = tpu.memref_slice %arg6[%dma_wait3A_214, %dma_wait3A_225, %dma_wait3A_226] : memref<8x104x64xf32, #tpu.memory_space<vmem>> -> memref<1x96x64xf32, #tpu.memory_space<vmem>>
      %dma_wait3A_228 = tpu.memref_squeeze %dma_wait3A_227 : memref<1x96x64xf32, #tpu.memory_space<vmem>> -> memref<96x64xf32, #tpu.memory_space<vmem>>
      %dma_wait3A_229 = arith.constant 0 : i32
      %dma_wait3A_230 = arith.constant 0 : i32
      %dma_wait3A_231 = tpu.memref_slice %arg3[%dma_wait3A_229, %dma_wait3A_230] : memref<1000000x64xf32, #tpu.memory_space<hbm>> -> memref<96x64xf32, #tpu.memory_space<hbm>>
      tpu.wait_dma2 semaphore(%dma_wait3A_224 : memref<!tpu.dma_semaphore, #tpu.memory_space<semaphore_mem>>) src(%dma_wait3A_231 : memref<96x64xf32, #tpu.memory_space<hbm>>) dst(%dma_wait3A_228 : memref<96x64xf32, #tpu.memory_space<vmem>>)
      %add3A_232 = arith.addi %mul3A_2, %add3A_213 : i32
      %dma_start3A_233 = arith.constant 1 : i32
      %dma_start3A_234 = arith.constant 1 : i32
      %dma_start3A_235 = arith.constant 0 : i32
      %dma_start3A_236 = arith.constant 0 : i32
      %dma_start3A_237 = tpu.memref_slice %arg6[%dma_start3A_233, %dma_start3A_235, %dma_start3A_236] : memref<8x104x64xf32, #tpu.memory_space<vmem>> -> memref<1x96x64xf32, #tpu.memory_space<vmem>>
      %dma_start3A_238 = tpu.memref_squeeze %dma_start3A_237 : memref<1x96x64xf32, #tpu.memory_space<vmem>> -> memref<96x64xf32, #tpu.memory_space<vmem>>
      %dma_start3A_239 = arith.constant 104 : i32
      %dma_start3A_240 = arith.constant 0 : i32
      %dma_start3A_241 = tpu.memref_slice %arg4[%add3A_232, %dma_start3A_239, %dma_start3A_240] : memref<4096x200x64xf32, #tpu.memory_space<hbm>> -> memref<1x96x64xf32, #tpu.memory_space<hbm>>
      %dma_start3A_242 = tpu.memref_squeeze %dma_start3A_241 : memref<1x96x64xf32, #tpu.memory_space<hbm>> -> memref<96x64xf32, #tpu.memory_space<hbm>>
      %dma_start3A_243 = tpu.memref_slice %arg8[%dma_start3A_234] : memref<8x!tpu.dma_semaphore, #tpu.memory_space<semaphore_mem>> -> memref<1x!tpu.dma_semaphore, #tpu.memory_space<semaphore_mem>>
      %dma_start3A_244 = tpu.memref_squeeze %dma_start3A_243 : memref<1x!tpu.dma_semaphore, #tpu.memory_space<semaphore_mem>> -> memref<!tpu.dma_semaphore, #tpu.memory_space<semaphore_mem>>
      %dma_start3A_245 = arith.constant 104 : i32
      %dma_start3A_246 = arith.constant 0 : i32
      %dma_start3A_247 = tpu.memref_slice %arg4[%add3A_232, %dma_start3A_245, %dma_start3A_246] : memref<4096x200x64xf32, #tpu.memory_space<hbm>> -> memref<1x96x64xf32, #tpu.memory_space<hbm>>
      %dma_start3A_248 = tpu.memref_squeeze %dma_start3A_247 : memref<1x96x64xf32, #tpu.memory_space<hbm>> -> memref<96x64xf32, #tpu.memory_space<hbm>>
      %dma_start3A_249 = arith.constant 0 : i32
      %dma_start3A_250 = arith.constant 0 : i32
      %dma_start3A_251 = tpu.memref_slice %arg6[%dma_start3A_233, %dma_start3A_249, %dma_start3A_250] : memref<8x104x64xf32, #tpu.memory_space<vmem>> -> memref<1x96x64xf32, #tpu.memory_space<vmem>>
      %dma_start3A_252 = tpu.memref_squeeze %dma_start3A_251 : memref<1x96x64xf32, #tpu.memory_space<vmem>> -> memref<96x64xf32, #tpu.memory_space<vmem>>
      tpu.enqueue_dma source(%dma_start3A_252 : memref<96x64xf32, #tpu.memory_space<vmem>>) target(%dma_start3A_248 : memref<96x64xf32, #tpu.memory_space<hbm>>) target_semaphore(%dma_start3A_244 : memref<!tpu.dma_semaphore, #tpu.memory_space<semaphore_mem>>)
      %add3A_253 = arith.constant 4 : i32
      %add3A_254 = arith.addi %add3A_209, %add3A_253 : i32
      %ge3A_255 = arith.constant 4 : i32
      %ge3A_256 = arith.cmpi sge, %add3A_209, %ge3A_255 : i32
      %convert_element_type3A_257 = arith.extui %ge3A_256 : i1 to i32
      %cond3A_258 = arith.constant 0 : i32
      %cond3A_259 = arith.cmpi ne, %convert_element_type3A_257, %cond3A_258 : i32
      scf.if %cond3A_259 {
        %dma_wait3A_619 = arith.constant 5 : i32
        %dma_wait3A_620 = arith.constant 0 : i32
        %dma_wait3A_621 = arith.constant 5 : i32
        %dma_wait3A_622 = arith.constant 0 : i32
        %dma_wait3A_623 = arith.constant 0 : i32
        %dma_wait3A_624 = tpu.memref_slice %arg6[%dma_wait3A_619, %dma_wait3A_622, %dma_wait3A_623] : memref<8x104x64xf32, #tpu.memory_space<vmem>> -> memref<1x96x64xf32, #tpu.memory_space<vmem>>
        %dma_wait3A_625 = tpu.memref_squeeze %dma_wait3A_624 : memref<1x96x64xf32, #tpu.memory_space<vmem>> -> memref<96x64xf32, #tpu.memory_space<vmem>>
        %dma_wait3A_626 = arith.constant 0 : i32
        %dma_wait3A_627 = arith.constant 0 : i32
        %dma_wait3A_628 = tpu.memref_slice %arg4[%dma_wait3A_620, %dma_wait3A_626, %dma_wait3A_627] : memref<4096x200x64xf32, #tpu.memory_space<hbm>> -> memref<1x96x64xf32, #tpu.memory_space<hbm>>
        %dma_wait3A_629 = tpu.memref_squeeze %dma_wait3A_628 : memref<1x96x64xf32, #tpu.memory_space<hbm>> -> memref<96x64xf32, #tpu.memory_space<hbm>>
        %dma_wait3A_630 = tpu.memref_slice %arg8[%dma_wait3A_621] : memref<8x!tpu.dma_semaphore, #tpu.memory_space<semaphore_mem>> -> memref<1x!tpu.dma_semaphore, #tpu.memory_space<semaphore_mem>>
        %dma_wait3A_631 = tpu.memref_squeeze %dma_wait3A_630 : memref<1x!tpu.dma_semaphore, #tpu.memory_space<semaphore_mem>> -> memref<!tpu.dma_semaphore, #tpu.memory_space<semaphore_mem>>
        %dma_wait3A_632 = arith.constant 0 : i32
        %dma_wait3A_633 = arith.constant 0 : i32
        %dma_wait3A_634 = tpu.memref_slice %arg4[%dma_wait3A_620, %dma_wait3A_632, %dma_wait3A_633] : memref<4096x200x64xf32, #tpu.memory_space<hbm>> -> memref<1x96x64xf32, #tpu.memory_space<hbm>>
        %dma_wait3A_635 = tpu.memref_squeeze %dma_wait3A_634 : memref<1x96x64xf32, #tpu.memory_space<hbm>> -> memref<96x64xf32, #tpu.memory_space<hbm>>
        %dma_wait3A_636 = arith.constant 0 : i32
        %dma_wait3A_637 = arith.constant 0 : i32
        %dma_wait3A_638 = tpu.memref_slice %arg6[%dma_wait3A_619, %dma_wait3A_636, %dma_wait3A_637] : memref<8x104x64xf32, #tpu.memory_space<vmem>> -> memref<1x96x64xf32, #tpu.memory_space<vmem>>
        %dma_wait3A_639 = tpu.memref_squeeze %dma_wait3A_638 : memref<1x96x64xf32, #tpu.memory_space<vmem>> -> memref<96x64xf32, #tpu.memory_space<vmem>>
        tpu.wait_dma2 semaphore(%dma_wait3A_631 : memref<!tpu.dma_semaphore, #tpu.memory_space<semaphore_mem>>) src(%dma_wait3A_639 : memref<96x64xf32, #tpu.memory_space<vmem>>) dst(%dma_wait3A_635 : memref<96x64xf32, #tpu.memory_space<hbm>>)
      } else {
      }
      %lt3A_260 = arith.constant 256 : i32
      %lt3A_261 = arith.cmpi slt, %add3A_254, %lt3A_260 : i32
      %convert_element_type3A_262 = arith.extui %lt3A_261 : i1 to i32
      %cond3A_263 = arith.constant 0 : i32
      %cond3A_264 = arith.cmpi ne, %convert_element_type3A_262, %cond3A_263 : i32
      scf.if %cond3A_264 {
        %mul3A_619 = arith.constant 4 : i32
        %mul3A_620 = arith.muli %scan3A_150, %mul3A_619 : i32
        %add3A_621 = arith.constant 2 : i32
        %add3A_622 = arith.addi %mul3A_620, %add3A_621 : i32
        %dma_start3A_623 = arith.constant 5 : i32
        %dma_start3A_624 = arith.constant 5 : i32
        %dma_start3A_625 = arith.constant 0 : i32
        %dma_start3A_626 = arith.constant 0 : i32
        %dma_start3A_627 = tpu.memref_slice %arg6[%dma_start3A_623, %dma_start3A_625, %dma_start3A_626] : memref<8x104x64xf32, #tpu.memory_space<vmem>> -> memref<1x96x64xf32, #tpu.memory_space<vmem>>
        %dma_start3A_628 = tpu.memref_squeeze %dma_start3A_627 : memref<1x96x64xf32, #tpu.memory_space<vmem>> -> memref<96x64xf32, #tpu.memory_space<vmem>>
        %dma_start3A_629 = arith.constant 104 : i32
        %dma_start3A_630 = tpu.memref_slice %arg5[%add3A_622, %dma_start3A_629] : memref<128x200xi32, #tpu.memory_space<vmem>> -> memref<1x96xi32, #tpu.memory_space<vmem>>
        %dma_start3A_631 = tpu.memref_squeeze %dma_start3A_630 : memref<1x96xi32, #tpu.memory_space<vmem>> -> memref<96xi32, #tpu.memory_space<vmem>>
        %dma_start3A_632 = arith.constant 0 : i32
        %dma_start3A_633 = arith.constant 0 : i32
        %dma_start3A_634 = tpu.memref_slice %arg3[%dma_start3A_632, %dma_start3A_633] : memref<1000000x64xf32, #tpu.memory_space<hbm>> -> memref<1000000x64xf32, #tpu.memory_space<hbm>>
        %dma_start3A_635 = tpu.memref_slice %arg7[%dma_start3A_624] : memref<8x!tpu.dma_semaphore, #tpu.memory_space<semaphore_mem>> -> memref<1x!tpu.dma_semaphore, #tpu.memory_space<semaphore_mem>>
        %dma_start3A_636 = tpu.memref_squeeze %dma_start3A_635 : memref<1x!tpu.dma_semaphore, #tpu.memory_space<semaphore_mem>> -> memref<!tpu.dma_semaphore, #tpu.memory_space<semaphore_mem>>
        tpu.enqueue_indirect_dma source(%dma_start3A_634 : memref<1000000x64xf32, #tpu.memory_space<hbm>>) target(%dma_start3A_628 : memref<96x64xf32, #tpu.memory_space<vmem>>) offsets(%dma_start3A_631 : memref<96xi32, #tpu.memory_space<vmem>>) semaphore(%dma_start3A_636 : memref<!tpu.dma_semaphore, #tpu.memory_space<semaphore_mem>>)
      } else {
      }
      %mul3A_265 = arith.constant 8 : i32
      %mul3A_266 = arith.muli %scan3A_150, %mul3A_265 : i32
      %add3A_267 = arith.constant 2 : i32
      %add3A_268 = arith.addi %mul3A_266, %add3A_267 : i32
      %mul3A_269 = arith.constant 4 : i32
      %mul3A_270 = arith.muli %scan3A_150, %mul3A_269 : i32
      %add3A_271 = arith.constant 1 : i32
      %add3A_272 = arith.addi %mul3A_270, %add3A_271 : i32
      %dma_wait3A_273 = arith.constant 2 : i32
      %dma_wait3A_274 = arith.constant 2 : i32
      %dma_wait3A_275 = arith.constant 0 : i32
      %dma_wait3A_276 = arith.constant 0 : i32
      %dma_wait3A_277 = tpu.memref_slice %arg6[%dma_wait3A_273, %dma_wait3A_275, %dma_wait3A_276] : memref<8x104x64xf32, #tpu.memory_space<vmem>> -> memref<1x104x64xf32, #tpu.memory_space<vmem>>
      %dma_wait3A_278 = tpu.memref_squeeze %dma_wait3A_277 : memref<1x104x64xf32, #tpu.memory_space<vmem>> -> memref<104x64xf32, #tpu.memory_space<vmem>>
      %dma_wait3A_279 = arith.constant 0 : i32
      %dma_wait3A_280 = arith.constant 0 : i32
      %dma_wait3A_281 = tpu.memref_slice %arg3[%dma_wait3A_279, %dma_wait3A_280] : memref<1000000x64xf32, #tpu.memory_space<hbm>> -> memref<104x64xf32, #tpu.memory_space<hbm>>
      %dma_wait3A_282 = tpu.memref_slice %arg7[%dma_wait3A_274] : memref<8x!tpu.dma_semaphore, #tpu.memory_space<semaphore_mem>> -> memref<1x!tpu.dma_semaphore, #tpu.memory_space<semaphore_mem>>
      %dma_wait3A_283 = tpu.memref_squeeze %dma_wait3A_282 : memref<1x!tpu.dma_semaphore, #tpu.memory_space<semaphore_mem>> -> memref<!tpu.dma_semaphore, #tpu.memory_space<semaphore_mem>>
      %dma_wait3A_284 = arith.constant 0 : i32
      %dma_wait3A_285 = arith.constant 0 : i32
      %dma_wait3A_286 = tpu.memref_slice %arg6[%dma_wait3A_273, %dma_wait3A_284, %dma_wait3A_285] : memref<8x104x64xf32, #tpu.memory_space<vmem>> -> memref<1x104x64xf32, #tpu.memory_space<vmem>>
      %dma_wait3A_287 = tpu.memref_squeeze %dma_wait3A_286 : memref<1x104x64xf32, #tpu.memory_space<vmem>> -> memref<104x64xf32, #tpu.memory_space<vmem>>
      %dma_wait3A_288 = arith.constant 0 : i32
      %dma_wait3A_289 = arith.constant 0 : i32
      %dma_wait3A_290 = tpu.memref_slice %arg3[%dma_wait3A_288, %dma_wait3A_289] : memref<1000000x64xf32, #tpu.memory_space<hbm>> -> memref<104x64xf32, #tpu.memory_space<hbm>>
      tpu.wait_dma2 semaphore(%dma_wait3A_283 : memref<!tpu.dma_semaphore, #tpu.memory_space<semaphore_mem>>) src(%dma_wait3A_290 : memref<104x64xf32, #tpu.memory_space<hbm>>) dst(%dma_wait3A_287 : memref<104x64xf32, #tpu.memory_space<vmem>>)
      %add3A_291 = arith.addi %mul3A_2, %add3A_272 : i32
      %dma_start3A_292 = arith.constant 2 : i32
      %dma_start3A_293 = arith.constant 2 : i32
      %dma_start3A_294 = arith.constant 0 : i32
      %dma_start3A_295 = arith.constant 0 : i32
      %dma_start3A_296 = tpu.memref_slice %arg6[%dma_start3A_292, %dma_start3A_294, %dma_start3A_295] : memref<8x104x64xf32, #tpu.memory_space<vmem>> -> memref<1x104x64xf32, #tpu.memory_space<vmem>>
      %dma_start3A_297 = tpu.memref_squeeze %dma_start3A_296 : memref<1x104x64xf32, #tpu.memory_space<vmem>> -> memref<104x64xf32, #tpu.memory_space<vmem>>
      %dma_start3A_298 = arith.constant 0 : i32
      %dma_start3A_299 = arith.constant 0 : i32
      %dma_start3A_300 = tpu.memref_slice %arg4[%add3A_291, %dma_start3A_298, %dma_start3A_299] : memref<4096x200x64xf32, #tpu.memory_space<hbm>> -> memref<1x104x64xf32, #tpu.memory_space<hbm>>
      %dma_start3A_301 = tpu.memref_squeeze %dma_start3A_300 : memref<1x104x64xf32, #tpu.memory_space<hbm>> -> memref<104x64xf32, #tpu.memory_space<hbm>>
      %dma_start3A_302 = tpu.memref_slice %arg8[%dma_start3A_293] : memref<8x!tpu.dma_semaphore, #tpu.memory_space<semaphore_mem>> -> memref<1x!tpu.dma_semaphore, #tpu.memory_space<semaphore_mem>>
      %dma_start3A_303 = tpu.memref_squeeze %dma_start3A_302 : memref<1x!tpu.dma_semaphore, #tpu.memory_space<semaphore_mem>> -> memref<!tpu.dma_semaphore, #tpu.memory_space<semaphore_mem>>
      %dma_start3A_304 = arith.constant 0 : i32
      %dma_start3A_305 = arith.constant 0 : i32
      %dma_start3A_306 = tpu.memref_slice %arg4[%add3A_291, %dma_start3A_304, %dma_start3A_305] : memref<4096x200x64xf32, #tpu.memory_space<hbm>> -> memref<1x104x64xf32, #tpu.memory_space<hbm>>
      %dma_start3A_307 = tpu.memref_squeeze %dma_start3A_306 : memref<1x104x64xf32, #tpu.memory_space<hbm>> -> memref<104x64xf32, #tpu.memory_space<hbm>>
      %dma_start3A_308 = arith.constant 0 : i32
      %dma_start3A_309 = arith.constant 0 : i32
      %dma_start3A_310 = tpu.memref_slice %arg6[%dma_start3A_292, %dma_start3A_308, %dma_start3A_309] : memref<8x104x64xf32, #tpu.memory_space<vmem>> -> memref<1x104x64xf32, #tpu.memory_space<vmem>>
      %dma_start3A_311 = tpu.memref_squeeze %dma_start3A_310 : memref<1x104x64xf32, #tpu.memory_space<vmem>> -> memref<104x64xf32, #tpu.memory_space<vmem>>
      tpu.enqueue_dma source(%dma_start3A_311 : memref<104x64xf32, #tpu.memory_space<vmem>>) target(%dma_start3A_307 : memref<104x64xf32, #tpu.memory_space<hbm>>) target_semaphore(%dma_start3A_303 : memref<!tpu.dma_semaphore, #tpu.memory_space<semaphore_mem>>)
      %add3A_312 = arith.constant 4 : i32
      %add3A_313 = arith.addi %add3A_268, %add3A_312 : i32
      %ge3A_314 = arith.constant 4 : i32
      %ge3A_315 = arith.cmpi sge, %add3A_268, %ge3A_314 : i32
      %convert_element_type3A_316 = arith.extui %ge3A_315 : i1 to i32
      %cond3A_317 = arith.constant 0 : i32
      %cond3A_318 = arith.cmpi ne, %convert_element_type3A_316, %cond3A_317 : i32
      scf.if %cond3A_318 {
        %dma_wait3A_619 = arith.constant 6 : i32
        %dma_wait3A_620 = arith.constant 0 : i32
        %dma_wait3A_621 = arith.constant 6 : i32
        %dma_wait3A_622 = arith.constant 0 : i32
        %dma_wait3A_623 = arith.constant 0 : i32
        %dma_wait3A_624 = tpu.memref_slice %arg6[%dma_wait3A_619, %dma_wait3A_622, %dma_wait3A_623] : memref<8x104x64xf32, #tpu.memory_space<vmem>> -> memref<1x104x64xf32, #tpu.memory_space<vmem>>
        %dma_wait3A_625 = tpu.memref_squeeze %dma_wait3A_624 : memref<1x104x64xf32, #tpu.memory_space<vmem>> -> memref<104x64xf32, #tpu.memory_space<vmem>>
        %dma_wait3A_626 = arith.constant 0 : i32
        %dma_wait3A_627 = arith.constant 0 : i32
        %dma_wait3A_628 = tpu.memref_slice %arg4[%dma_wait3A_620, %dma_wait3A_626, %dma_wait3A_627] : memref<4096x200x64xf32, #tpu.memory_space<hbm>> -> memref<1x104x64xf32, #tpu.memory_space<hbm>>
        %dma_wait3A_629 = tpu.memref_squeeze %dma_wait3A_628 : memref<1x104x64xf32, #tpu.memory_space<hbm>> -> memref<104x64xf32, #tpu.memory_space<hbm>>
        %dma_wait3A_630 = tpu.memref_slice %arg8[%dma_wait3A_621] : memref<8x!tpu.dma_semaphore, #tpu.memory_space<semaphore_mem>> -> memref<1x!tpu.dma_semaphore, #tpu.memory_space<semaphore_mem>>
        %dma_wait3A_631 = tpu.memref_squeeze %dma_wait3A_630 : memref<1x!tpu.dma_semaphore, #tpu.memory_space<semaphore_mem>> -> memref<!tpu.dma_semaphore, #tpu.memory_space<semaphore_mem>>
        %dma_wait3A_632 = arith.constant 0 : i32
        %dma_wait3A_633 = arith.constant 0 : i32
        %dma_wait3A_634 = tpu.memref_slice %arg4[%dma_wait3A_620, %dma_wait3A_632, %dma_wait3A_633] : memref<4096x200x64xf32, #tpu.memory_space<hbm>> -> memref<1x104x64xf32, #tpu.memory_space<hbm>>
        %dma_wait3A_635 = tpu.memref_squeeze %dma_wait3A_634 : memref<1x104x64xf32, #tpu.memory_space<hbm>> -> memref<104x64xf32, #tpu.memory_space<hbm>>
        %dma_wait3A_636 = arith.constant 0 : i32
        %dma_wait3A_637 = arith.constant 0 : i32
        %dma_wait3A_638 = tpu.memref_slice %arg6[%dma_wait3A_619, %dma_wait3A_636, %dma_wait3A_637] : memref<8x104x64xf32, #tpu.memory_space<vmem>> -> memref<1x104x64xf32, #tpu.memory_space<vmem>>
        %dma_wait3A_639 = tpu.memref_squeeze %dma_wait3A_638 : memref<1x104x64xf32, #tpu.memory_space<vmem>> -> memref<104x64xf32, #tpu.memory_space<vmem>>
        tpu.wait_dma2 semaphore(%dma_wait3A_631 : memref<!tpu.dma_semaphore, #tpu.memory_space<semaphore_mem>>) src(%dma_wait3A_639 : memref<104x64xf32, #tpu.memory_space<vmem>>) dst(%dma_wait3A_635 : memref<104x64xf32, #tpu.memory_space<hbm>>)
      } else {
      }
      %lt3A_319 = arith.constant 256 : i32
      %lt3A_320 = arith.cmpi slt, %add3A_313, %lt3A_319 : i32
      %convert_element_type3A_321 = arith.extui %lt3A_320 : i1 to i32
      %cond3A_322 = arith.constant 0 : i32
      %cond3A_323 = arith.cmpi ne, %convert_element_type3A_321, %cond3A_322 : i32
      scf.if %cond3A_323 {
        %mul3A_619 = arith.constant 4 : i32
        %mul3A_620 = arith.muli %scan3A_150, %mul3A_619 : i32
        %add3A_621 = arith.constant 3 : i32
        %add3A_622 = arith.addi %mul3A_620, %add3A_621 : i32
        %dma_start3A_623 = arith.constant 6 : i32
        %dma_start3A_624 = arith.constant 6 : i32
        %dma_start3A_625 = arith.constant 0 : i32
        %dma_start3A_626 = arith.constant 0 : i32
        %dma_start3A_627 = tpu.memref_slice %arg6[%dma_start3A_623, %dma_start3A_625, %dma_start3A_626] : memref<8x104x64xf32, #tpu.memory_space<vmem>> -> memref<1x104x64xf32, #tpu.memory_space<vmem>>
        %dma_start3A_628 = tpu.memref_squeeze %dma_start3A_627 : memref<1x104x64xf32, #tpu.memory_space<vmem>> -> memref<104x64xf32, #tpu.memory_space<vmem>>
        %dma_start3A_629 = arith.constant 0 : i32
        %dma_start3A_630 = tpu.memref_slice %arg5[%add3A_622, %dma_start3A_629] : memref<128x200xi32, #tpu.memory_space<vmem>> -> memref<1x104xi32, #tpu.memory_space<vmem>>
        %dma_start3A_631 = tpu.memref_squeeze %dma_start3A_630 : memref<1x104xi32, #tpu.memory_space<vmem>> -> memref<104xi32, #tpu.memory_space<vmem>>
        %dma_start3A_632 = arith.constant 0 : i32
        %dma_start3A_633 = arith.constant 0 : i32
        %dma_start3A_634 = tpu.memref_slice %arg3[%dma_start3A_632, %dma_start3A_633] : memref<1000000x64xf32, #tpu.memory_space<hbm>> -> memref<1000000x64xf32, #tpu.memory_space<hbm>>
        %dma_start3A_635 = tpu.memref_slice %arg7[%dma_start3A_624] : memref<8x!tpu.dma_semaphore, #tpu.memory_space<semaphore_mem>> -> memref<1x!tpu.dma_semaphore, #tpu.memory_space<semaphore_mem>>
        %dma_start3A_636 = tpu.memref_squeeze %dma_start3A_635 : memref<1x!tpu.dma_semaphore, #tpu.memory_space<semaphore_mem>> -> memref<!tpu.dma_semaphore, #tpu.memory_space<semaphore_mem>>
        tpu.enqueue_indirect_dma source(%dma_start3A_634 : memref<1000000x64xf32, #tpu.memory_space<hbm>>) target(%dma_start3A_628 : memref<104x64xf32, #tpu.memory_space<vmem>>) offsets(%dma_start3A_631 : memref<104xi32, #tpu.memory_space<vmem>>) semaphore(%dma_start3A_636 : memref<!tpu.dma_semaphore, #tpu.memory_space<semaphore_mem>>)
      } else {
      }
      %mul3A_324 = arith.constant 8 : i32
      %mul3A_325 = arith.muli %scan3A_150, %mul3A_324 : i32
      %add3A_326 = arith.constant 3 : i32
      %add3A_327 = arith.addi %mul3A_325, %add3A_326 : i32
      %mul3A_328 = arith.constant 4 : i32
      %mul3A_329 = arith.muli %scan3A_150, %mul3A_328 : i32
      %add3A_330 = arith.constant 1 : i32
      %add3A_331 = arith.addi %mul3A_329, %add3A_330 : i32
      %dma_wait3A_332 = arith.constant 3 : i32
      %dma_wait3A_333 = arith.constant 3 : i32
      %dma_wait3A_334 = arith.constant 0 : i32
      %dma_wait3A_335 = arith.constant 0 : i32
      %dma_wait3A_336 = tpu.memref_slice %arg6[%dma_wait3A_332, %dma_wait3A_334, %dma_wait3A_335] : memref<8x104x64xf32, #tpu.memory_space<vmem>> -> memref<1x96x64xf32, #tpu.memory_space<vmem>>
      %dma_wait3A_337 = tpu.memref_squeeze %dma_wait3A_336 : memref<1x96x64xf32, #tpu.memory_space<vmem>> -> memref<96x64xf32, #tpu.memory_space<vmem>>
      %dma_wait3A_338 = arith.constant 0 : i32
      %dma_wait3A_339 = arith.constant 0 : i32
      %dma_wait3A_340 = tpu.memref_slice %arg3[%dma_wait3A_338, %dma_wait3A_339] : memref<1000000x64xf32, #tpu.memory_space<hbm>> -> memref<96x64xf32, #tpu.memory_space<hbm>>
      %dma_wait3A_341 = tpu.memref_slice %arg7[%dma_wait3A_333] : memref<8x!tpu.dma_semaphore, #tpu.memory_space<semaphore_mem>> -> memref<1x!tpu.dma_semaphore, #tpu.memory_space<semaphore_mem>>
      %dma_wait3A_342 = tpu.memref_squeeze %dma_wait3A_341 : memref<1x!tpu.dma_semaphore, #tpu.memory_space<semaphore_mem>> -> memref<!tpu.dma_semaphore, #tpu.memory_space<semaphore_mem>>
      %dma_wait3A_343 = arith.constant 0 : i32
      %dma_wait3A_344 = arith.constant 0 : i32
      %dma_wait3A_345 = tpu.memref_slice %arg6[%dma_wait3A_332, %dma_wait3A_343, %dma_wait3A_344] : memref<8x104x64xf32, #tpu.memory_space<vmem>> -> memref<1x96x64xf32, #tpu.memory_space<vmem>>
      %dma_wait3A_346 = tpu.memref_squeeze %dma_wait3A_345 : memref<1x96x64xf32, #tpu.memory_space<vmem>> -> memref<96x64xf32, #tpu.memory_space<vmem>>
      %dma_wait3A_347 = arith.constant 0 : i32
      %dma_wait3A_348 = arith.constant 0 : i32
      %dma_wait3A_349 = tpu.memref_slice %arg3[%dma_wait3A_347, %dma_wait3A_348] : memref<1000000x64xf32, #tpu.memory_space<hbm>> -> memref<96x64xf32, #tpu.memory_space<hbm>>
      tpu.wait_dma2 semaphore(%dma_wait3A_342 : memref<!tpu.dma_semaphore, #tpu.memory_space<semaphore_mem>>) src(%dma_wait3A_349 : memref<96x64xf32, #tpu.memory_space<hbm>>) dst(%dma_wait3A_346 : memref<96x64xf32, #tpu.memory_space<vmem>>)
      %add3A_350 = arith.addi %mul3A_2, %add3A_331 : i32
      %dma_start3A_351 = arith.constant 3 : i32
      %dma_start3A_352 = arith.constant 3 : i32
      %dma_start3A_353 = arith.constant 0 : i32
      %dma_start3A_354 = arith.constant 0 : i32
      %dma_start3A_355 = tpu.memref_slice %arg6[%dma_start3A_351, %dma_start3A_353, %dma_start3A_354] : memref<8x104x64xf32, #tpu.memory_space<vmem>> -> memref<1x96x64xf32, #tpu.memory_space<vmem>>
      %dma_start3A_356 = tpu.memref_squeeze %dma_start3A_355 : memref<1x96x64xf32, #tpu.memory_space<vmem>> -> memref<96x64xf32, #tpu.memory_space<vmem>>
      %dma_start3A_357 = arith.constant 104 : i32
      %dma_start3A_358 = arith.constant 0 : i32
      %dma_start3A_359 = tpu.memref_slice %arg4[%add3A_350, %dma_start3A_357, %dma_start3A_358] : memref<4096x200x64xf32, #tpu.memory_space<hbm>> -> memref<1x96x64xf32, #tpu.memory_space<hbm>>
      %dma_start3A_360 = tpu.memref_squeeze %dma_start3A_359 : memref<1x96x64xf32, #tpu.memory_space<hbm>> -> memref<96x64xf32, #tpu.memory_space<hbm>>
      %dma_start3A_361 = tpu.memref_slice %arg8[%dma_start3A_352] : memref<8x!tpu.dma_semaphore, #tpu.memory_space<semaphore_mem>> -> memref<1x!tpu.dma_semaphore, #tpu.memory_space<semaphore_mem>>
      %dma_start3A_362 = tpu.memref_squeeze %dma_start3A_361 : memref<1x!tpu.dma_semaphore, #tpu.memory_space<semaphore_mem>> -> memref<!tpu.dma_semaphore, #tpu.memory_space<semaphore_mem>>
      %dma_start3A_363 = arith.constant 104 : i32
      %dma_start3A_364 = arith.constant 0 : i32
      %dma_start3A_365 = tpu.memref_slice %arg4[%add3A_350, %dma_start3A_363, %dma_start3A_364] : memref<4096x200x64xf32, #tpu.memory_space<hbm>> -> memref<1x96x64xf32, #tpu.memory_space<hbm>>
      %dma_start3A_366 = tpu.memref_squeeze %dma_start3A_365 : memref<1x96x64xf32, #tpu.memory_space<hbm>> -> memref<96x64xf32, #tpu.memory_space<hbm>>
      %dma_start3A_367 = arith.constant 0 : i32
      %dma_start3A_368 = arith.constant 0 : i32
      %dma_start3A_369 = tpu.memref_slice %arg6[%dma_start3A_351, %dma_start3A_367, %dma_start3A_368] : memref<8x104x64xf32, #tpu.memory_space<vmem>> -> memref<1x96x64xf32, #tpu.memory_space<vmem>>
      %dma_start3A_370 = tpu.memref_squeeze %dma_start3A_369 : memref<1x96x64xf32, #tpu.memory_space<vmem>> -> memref<96x64xf32, #tpu.memory_space<vmem>>
      tpu.enqueue_dma source(%dma_start3A_370 : memref<96x64xf32, #tpu.memory_space<vmem>>) target(%dma_start3A_366 : memref<96x64xf32, #tpu.memory_space<hbm>>) target_semaphore(%dma_start3A_362 : memref<!tpu.dma_semaphore, #tpu.memory_space<semaphore_mem>>)
      %add3A_371 = arith.constant 4 : i32
      %add3A_372 = arith.addi %add3A_327, %add3A_371 : i32
      %ge3A_373 = arith.constant 4 : i32
      %ge3A_374 = arith.cmpi sge, %add3A_327, %ge3A_373 : i32
      %convert_element_type3A_375 = arith.extui %ge3A_374 : i1 to i32
      %cond3A_376 = arith.constant 0 : i32
      %cond3A_377 = arith.cmpi ne, %convert_element_type3A_375, %cond3A_376 : i32
      scf.if %cond3A_377 {
        %dma_wait3A_619 = arith.constant 7 : i32
        %dma_wait3A_620 = arith.constant 0 : i32
        %dma_wait3A_621 = arith.constant 7 : i32
        %dma_wait3A_622 = arith.constant 0 : i32
        %dma_wait3A_623 = arith.constant 0 : i32
        %dma_wait3A_624 = tpu.memref_slice %arg6[%dma_wait3A_619, %dma_wait3A_622, %dma_wait3A_623] : memref<8x104x64xf32, #tpu.memory_space<vmem>> -> memref<1x96x64xf32, #tpu.memory_space<vmem>>
        %dma_wait3A_625 = tpu.memref_squeeze %dma_wait3A_624 : memref<1x96x64xf32, #tpu.memory_space<vmem>> -> memref<96x64xf32, #tpu.memory_space<vmem>>
        %dma_wait3A_626 = arith.constant 0 : i32
        %dma_wait3A_627 = arith.constant 0 : i32
        %dma_wait3A_628 = tpu.memref_slice %arg4[%dma_wait3A_620, %dma_wait3A_626, %dma_wait3A_627] : memref<4096x200x64xf32, #tpu.memory_space<hbm>> -> memref<1x96x64xf32, #tpu.memory_space<hbm>>
        %dma_wait3A_629 = tpu.memref_squeeze %dma_wait3A_628 : memref<1x96x64xf32, #tpu.memory_space<hbm>> -> memref<96x64xf32, #tpu.memory_space<hbm>>
        %dma_wait3A_630 = tpu.memref_slice %arg8[%dma_wait3A_621] : memref<8x!tpu.dma_semaphore, #tpu.memory_space<semaphore_mem>> -> memref<1x!tpu.dma_semaphore, #tpu.memory_space<semaphore_mem>>
        %dma_wait3A_631 = tpu.memref_squeeze %dma_wait3A_630 : memref<1x!tpu.dma_semaphore, #tpu.memory_space<semaphore_mem>> -> memref<!tpu.dma_semaphore, #tpu.memory_space<semaphore_mem>>
        %dma_wait3A_632 = arith.constant 0 : i32
        %dma_wait3A_633 = arith.constant 0 : i32
        %dma_wait3A_634 = tpu.memref_slice %arg4[%dma_wait3A_620, %dma_wait3A_632, %dma_wait3A_633] : memref<4096x200x64xf32, #tpu.memory_space<hbm>> -> memref<1x96x64xf32, #tpu.memory_space<hbm>>
        %dma_wait3A_635 = tpu.memref_squeeze %dma_wait3A_634 : memref<1x96x64xf32, #tpu.memory_space<hbm>> -> memref<96x64xf32, #tpu.memory_space<hbm>>
        %dma_wait3A_636 = arith.constant 0 : i32
        %dma_wait3A_637 = arith.constant 0 : i32
        %dma_wait3A_638 = tpu.memref_slice %arg6[%dma_wait3A_619, %dma_wait3A_636, %dma_wait3A_637] : memref<8x104x64xf32, #tpu.memory_space<vmem>> -> memref<1x96x64xf32, #tpu.memory_space<vmem>>
        %dma_wait3A_639 = tpu.memref_squeeze %dma_wait3A_638 : memref<1x96x64xf32, #tpu.memory_space<vmem>> -> memref<96x64xf32, #tpu.memory_space<vmem>>
        tpu.wait_dma2 semaphore(%dma_wait3A_631 : memref<!tpu.dma_semaphore, #tpu.memory_space<semaphore_mem>>) src(%dma_wait3A_639 : memref<96x64xf32, #tpu.memory_space<vmem>>) dst(%dma_wait3A_635 : memref<96x64xf32, #tpu.memory_space<hbm>>)
      } else {
      }
      %lt3A_378 = arith.constant 256 : i32
      %lt3A_379 = arith.cmpi slt, %add3A_372, %lt3A_378 : i32
      %convert_element_type3A_380 = arith.extui %lt3A_379 : i1 to i32
      %cond3A_381 = arith.constant 0 : i32
      %cond3A_382 = arith.cmpi ne, %convert_element_type3A_380, %cond3A_381 : i32
      scf.if %cond3A_382 {
        %mul3A_619 = arith.constant 4 : i32
        %mul3A_620 = arith.muli %scan3A_150, %mul3A_619 : i32
        %add3A_621 = arith.constant 3 : i32
        %add3A_622 = arith.addi %mul3A_620, %add3A_621 : i32
        %dma_start3A_623 = arith.constant 7 : i32
        %dma_start3A_624 = arith.constant 7 : i32
        %dma_start3A_625 = arith.constant 0 : i32
        %dma_start3A_626 = arith.constant 0 : i32
        %dma_start3A_627 = tpu.memref_slice %arg6[%dma_start3A_623, %dma_start3A_625, %dma_start3A_626] : memref<8x104x64xf32, #tpu.memory_space<vmem>> -> memref<1x96x64xf32, #tpu.memory_space<vmem>>
        %dma_start3A_628 = tpu.memref_squeeze %dma_start3A_627 : memref<1x96x64xf32, #tpu.memory_space<vmem>> -> memref<96x64xf32, #tpu.memory_space<vmem>>
        %dma_start3A_629 = arith.constant 104 : i32
        %dma_start3A_630 = tpu.memref_slice %arg5[%add3A_622, %dma_start3A_629] : memref<128x200xi32, #tpu.memory_space<vmem>> -> memref<1x96xi32, #tpu.memory_space<vmem>>
        %dma_start3A_631 = tpu.memref_squeeze %dma_start3A_630 : memref<1x96xi32, #tpu.memory_space<vmem>> -> memref<96xi32, #tpu.memory_space<vmem>>
        %dma_start3A_632 = arith.constant 0 : i32
        %dma_start3A_633 = arith.constant 0 : i32
        %dma_start3A_634 = tpu.memref_slice %arg3[%dma_start3A_632, %dma_start3A_633] : memref<1000000x64xf32, #tpu.memory_space<hbm>> -> memref<1000000x64xf32, #tpu.memory_space<hbm>>
        %dma_start3A_635 = tpu.memref_slice %arg7[%dma_start3A_624] : memref<8x!tpu.dma_semaphore, #tpu.memory_space<semaphore_mem>> -> memref<1x!tpu.dma_semaphore, #tpu.memory_space<semaphore_mem>>
        %dma_start3A_636 = tpu.memref_squeeze %dma_start3A_635 : memref<1x!tpu.dma_semaphore, #tpu.memory_space<semaphore_mem>> -> memref<!tpu.dma_semaphore, #tpu.memory_space<semaphore_mem>>
        tpu.enqueue_indirect_dma source(%dma_start3A_634 : memref<1000000x64xf32, #tpu.memory_space<hbm>>) target(%dma_start3A_628 : memref<96x64xf32, #tpu.memory_space<vmem>>) offsets(%dma_start3A_631 : memref<96xi32, #tpu.memory_space<vmem>>) semaphore(%dma_start3A_636 : memref<!tpu.dma_semaphore, #tpu.memory_space<semaphore_mem>>)
      } else {
      }
      %mul3A_383 = arith.constant 8 : i32
      %mul3A_384 = arith.muli %scan3A_150, %mul3A_383 : i32
      %add3A_385 = arith.constant 4 : i32
      %add3A_386 = arith.addi %mul3A_384, %add3A_385 : i32
      %mul3A_387 = arith.constant 4 : i32
      %mul3A_388 = arith.muli %scan3A_150, %mul3A_387 : i32
      %add3A_389 = arith.constant 2 : i32
      %add3A_390 = arith.addi %mul3A_388, %add3A_389 : i32
      %dma_wait3A_391 = arith.constant 4 : i32
      %dma_wait3A_392 = arith.constant 4 : i32
      %dma_wait3A_393 = arith.constant 0 : i32
      %dma_wait3A_394 = arith.constant 0 : i32
      %dma_wait3A_395 = tpu.memref_slice %arg6[%dma_wait3A_391, %dma_wait3A_393, %dma_wait3A_394] : memref<8x104x64xf32, #tpu.memory_space<vmem>> -> memref<1x104x64xf32, #tpu.memory_space<vmem>>
      %dma_wait3A_396 = tpu.memref_squeeze %dma_wait3A_395 : memref<1x104x64xf32, #tpu.memory_space<vmem>> -> memref<104x64xf32, #tpu.memory_space<vmem>>
      %dma_wait3A_397 = arith.constant 0 : i32
      %dma_wait3A_398 = arith.constant 0 : i32
      %dma_wait3A_399 = tpu.memref_slice %arg3[%dma_wait3A_397, %dma_wait3A_398] : memref<1000000x64xf32, #tpu.memory_space<hbm>> -> memref<104x64xf32, #tpu.memory_space<hbm>>
      %dma_wait3A_400 = tpu.memref_slice %arg7[%dma_wait3A_392] : memref<8x!tpu.dma_semaphore, #tpu.memory_space<semaphore_mem>> -> memref<1x!tpu.dma_semaphore, #tpu.memory_space<semaphore_mem>>
      %dma_wait3A_401 = tpu.memref_squeeze %dma_wait3A_400 : memref<1x!tpu.dma_semaphore, #tpu.memory_space<semaphore_mem>> -> memref<!tpu.dma_semaphore, #tpu.memory_space<semaphore_mem>>
      %dma_wait3A_402 = arith.constant 0 : i32
      %dma_wait3A_403 = arith.constant 0 : i32
      %dma_wait3A_404 = tpu.memref_slice %arg6[%dma_wait3A_391, %dma_wait3A_402, %dma_wait3A_403] : memref<8x104x64xf32, #tpu.memory_space<vmem>> -> memref<1x104x64xf32, #tpu.memory_space<vmem>>
      %dma_wait3A_405 = tpu.memref_squeeze %dma_wait3A_404 : memref<1x104x64xf32, #tpu.memory_space<vmem>> -> memref<104x64xf32, #tpu.memory_space<vmem>>
      %dma_wait3A_406 = arith.constant 0 : i32
      %dma_wait3A_407 = arith.constant 0 : i32
      %dma_wait3A_408 = tpu.memref_slice %arg3[%dma_wait3A_406, %dma_wait3A_407] : memref<1000000x64xf32, #tpu.memory_space<hbm>> -> memref<104x64xf32, #tpu.memory_space<hbm>>
      tpu.wait_dma2 semaphore(%dma_wait3A_401 : memref<!tpu.dma_semaphore, #tpu.memory_space<semaphore_mem>>) src(%dma_wait3A_408 : memref<104x64xf32, #tpu.memory_space<hbm>>) dst(%dma_wait3A_405 : memref<104x64xf32, #tpu.memory_space<vmem>>)
      %add3A_409 = arith.addi %mul3A_2, %add3A_390 : i32
      %dma_start3A_410 = arith.constant 4 : i32
      %dma_start3A_411 = arith.constant 4 : i32
      %dma_start3A_412 = arith.constant 0 : i32
      %dma_start3A_413 = arith.constant 0 : i32
      %dma_start3A_414 = tpu.memref_slice %arg6[%dma_start3A_410, %dma_start3A_412, %dma_start3A_413] : memref<8x104x64xf32, #tpu.memory_space<vmem>> -> memref<1x104x64xf32, #tpu.memory_space<vmem>>
      %dma_start3A_415 = tpu.memref_squeeze %dma_start3A_414 : memref<1x104x64xf32, #tpu.memory_space<vmem>> -> memref<104x64xf32, #tpu.memory_space<vmem>>
      %dma_start3A_416 = arith.constant 0 : i32
      %dma_start3A_417 = arith.constant 0 : i32
      %dma_start3A_418 = tpu.memref_slice %arg4[%add3A_409, %dma_start3A_416, %dma_start3A_417] : memref<4096x200x64xf32, #tpu.memory_space<hbm>> -> memref<1x104x64xf32, #tpu.memory_space<hbm>>
      %dma_start3A_419 = tpu.memref_squeeze %dma_start3A_418 : memref<1x104x64xf32, #tpu.memory_space<hbm>> -> memref<104x64xf32, #tpu.memory_space<hbm>>
      %dma_start3A_420 = tpu.memref_slice %arg8[%dma_start3A_411] : memref<8x!tpu.dma_semaphore, #tpu.memory_space<semaphore_mem>> -> memref<1x!tpu.dma_semaphore, #tpu.memory_space<semaphore_mem>>
      %dma_start3A_421 = tpu.memref_squeeze %dma_start3A_420 : memref<1x!tpu.dma_semaphore, #tpu.memory_space<semaphore_mem>> -> memref<!tpu.dma_semaphore, #tpu.memory_space<semaphore_mem>>
      %dma_start3A_422 = arith.constant 0 : i32
      %dma_start3A_423 = arith.constant 0 : i32
      %dma_start3A_424 = tpu.memref_slice %arg4[%add3A_409, %dma_start3A_422, %dma_start3A_423] : memref<4096x200x64xf32, #tpu.memory_space<hbm>> -> memref<1x104x64xf32, #tpu.memory_space<hbm>>
      %dma_start3A_425 = tpu.memref_squeeze %dma_start3A_424 : memref<1x104x64xf32, #tpu.memory_space<hbm>> -> memref<104x64xf32, #tpu.memory_space<hbm>>
      %dma_start3A_426 = arith.constant 0 : i32
      %dma_start3A_427 = arith.constant 0 : i32
      %dma_start3A_428 = tpu.memref_slice %arg6[%dma_start3A_410, %dma_start3A_426, %dma_start3A_427] : memref<8x104x64xf32, #tpu.memory_space<vmem>> -> memref<1x104x64xf32, #tpu.memory_space<vmem>>
      %dma_start3A_429 = tpu.memref_squeeze %dma_start3A_428 : memref<1x104x64xf32, #tpu.memory_space<vmem>> -> memref<104x64xf32, #tpu.memory_space<vmem>>
      tpu.enqueue_dma source(%dma_start3A_429 : memref<104x64xf32, #tpu.memory_space<vmem>>) target(%dma_start3A_425 : memref<104x64xf32, #tpu.memory_space<hbm>>) target_semaphore(%dma_start3A_421 : memref<!tpu.dma_semaphore, #tpu.memory_space<semaphore_mem>>)
      %add3A_430 = arith.constant 4 : i32
      %add3A_431 = arith.addi %add3A_386, %add3A_430 : i32
      %ge3A_432 = arith.constant 4 : i32
      %ge3A_433 = arith.cmpi sge, %add3A_386, %ge3A_432 : i32
      %convert_element_type3A_434 = arith.extui %ge3A_433 : i1 to i32
      %cond3A_435 = arith.constant 0 : i32
      %cond3A_436 = arith.cmpi ne, %convert_element_type3A_434, %cond3A_435 : i32
      scf.if %cond3A_436 {
        %dma_wait3A_619 = arith.constant 0 : i32
        %dma_wait3A_620 = arith.constant 0 : i32
        %dma_wait3A_621 = arith.constant 0 : i32
        %dma_wait3A_622 = arith.constant 0 : i32
        %dma_wait3A_623 = arith.constant 0 : i32
        %dma_wait3A_624 = tpu.memref_slice %arg6[%dma_wait3A_619, %dma_wait3A_622, %dma_wait3A_623] : memref<8x104x64xf32, #tpu.memory_space<vmem>> -> memref<1x104x64xf32, #tpu.memory_space<vmem>>
        %dma_wait3A_625 = tpu.memref_squeeze %dma_wait3A_624 : memref<1x104x64xf32, #tpu.memory_space<vmem>> -> memref<104x64xf32, #tpu.memory_space<vmem>>
        %dma_wait3A_626 = arith.constant 0 : i32
        %dma_wait3A_627 = arith.constant 0 : i32
        %dma_wait3A_628 = tpu.memref_slice %arg4[%dma_wait3A_620, %dma_wait3A_626, %dma_wait3A_627] : memref<4096x200x64xf32, #tpu.memory_space<hbm>> -> memref<1x104x64xf32, #tpu.memory_space<hbm>>
        %dma_wait3A_629 = tpu.memref_squeeze %dma_wait3A_628 : memref<1x104x64xf32, #tpu.memory_space<hbm>> -> memref<104x64xf32, #tpu.memory_space<hbm>>
        %dma_wait3A_630 = tpu.memref_slice %arg8[%dma_wait3A_621] : memref<8x!tpu.dma_semaphore, #tpu.memory_space<semaphore_mem>> -> memref<1x!tpu.dma_semaphore, #tpu.memory_space<semaphore_mem>>
        %dma_wait3A_631 = tpu.memref_squeeze %dma_wait3A_630 : memref<1x!tpu.dma_semaphore, #tpu.memory_space<semaphore_mem>> -> memref<!tpu.dma_semaphore, #tpu.memory_space<semaphore_mem>>
        %dma_wait3A_632 = arith.constant 0 : i32
        %dma_wait3A_633 = arith.constant 0 : i32
        %dma_wait3A_634 = tpu.memref_slice %arg4[%dma_wait3A_620, %dma_wait3A_632, %dma_wait3A_633] : memref<4096x200x64xf32, #tpu.memory_space<hbm>> -> memref<1x104x64xf32, #tpu.memory_space<hbm>>
        %dma_wait3A_635 = tpu.memref_squeeze %dma_wait3A_634 : memref<1x104x64xf32, #tpu.memory_space<hbm>> -> memref<104x64xf32, #tpu.memory_space<hbm>>
        %dma_wait3A_636 = arith.constant 0 : i32
        %dma_wait3A_637 = arith.constant 0 : i32
        %dma_wait3A_638 = tpu.memref_slice %arg6[%dma_wait3A_619, %dma_wait3A_636, %dma_wait3A_637] : memref<8x104x64xf32, #tpu.memory_space<vmem>> -> memref<1x104x64xf32, #tpu.memory_space<vmem>>
        %dma_wait3A_639 = tpu.memref_squeeze %dma_wait3A_638 : memref<1x104x64xf32, #tpu.memory_space<vmem>> -> memref<104x64xf32, #tpu.memory_space<vmem>>
        tpu.wait_dma2 semaphore(%dma_wait3A_631 : memref<!tpu.dma_semaphore, #tpu.memory_space<semaphore_mem>>) src(%dma_wait3A_639 : memref<104x64xf32, #tpu.memory_space<vmem>>) dst(%dma_wait3A_635 : memref<104x64xf32, #tpu.memory_space<hbm>>)
      } else {
      }
      %lt3A_437 = arith.constant 256 : i32
      %lt3A_438 = arith.cmpi slt, %add3A_431, %lt3A_437 : i32
      %convert_element_type3A_439 = arith.extui %lt3A_438 : i1 to i32
      %cond3A_440 = arith.constant 0 : i32
      %cond3A_441 = arith.cmpi ne, %convert_element_type3A_439, %cond3A_440 : i32
      scf.if %cond3A_441 {
        %mul3A_619 = arith.constant 4 : i32
        %mul3A_620 = arith.muli %scan3A_150, %mul3A_619 : i32
        %add3A_621 = arith.constant 4 : i32
        %add3A_622 = arith.addi %mul3A_620, %add3A_621 : i32
        %dma_start3A_623 = arith.constant 0 : i32
        %dma_start3A_624 = arith.constant 0 : i32
        %dma_start3A_625 = arith.constant 0 : i32
        %dma_start3A_626 = arith.constant 0 : i32
        %dma_start3A_627 = tpu.memref_slice %arg6[%dma_start3A_623, %dma_start3A_625, %dma_start3A_626] : memref<8x104x64xf32, #tpu.memory_space<vmem>> -> memref<1x104x64xf32, #tpu.memory_space<vmem>>
        %dma_start3A_628 = tpu.memref_squeeze %dma_start3A_627 : memref<1x104x64xf32, #tpu.memory_space<vmem>> -> memref<104x64xf32, #tpu.memory_space<vmem>>
        %dma_start3A_629 = arith.constant 0 : i32
        %dma_start3A_630 = tpu.memref_slice %arg5[%add3A_622, %dma_start3A_629] : memref<128x200xi32, #tpu.memory_space<vmem>> -> memref<1x104xi32, #tpu.memory_space<vmem>>
        %dma_start3A_631 = tpu.memref_squeeze %dma_start3A_630 : memref<1x104xi32, #tpu.memory_space<vmem>> -> memref<104xi32, #tpu.memory_space<vmem>>
        %dma_start3A_632 = arith.constant 0 : i32
        %dma_start3A_633 = arith.constant 0 : i32
        %dma_start3A_634 = tpu.memref_slice %arg3[%dma_start3A_632, %dma_start3A_633] : memref<1000000x64xf32, #tpu.memory_space<hbm>> -> memref<1000000x64xf32, #tpu.memory_space<hbm>>
        %dma_start3A_635 = tpu.memref_slice %arg7[%dma_start3A_624] : memref<8x!tpu.dma_semaphore, #tpu.memory_space<semaphore_mem>> -> memref<1x!tpu.dma_semaphore, #tpu.memory_space<semaphore_mem>>
        %dma_start3A_636 = tpu.memref_squeeze %dma_start3A_635 : memref<1x!tpu.dma_semaphore, #tpu.memory_space<semaphore_mem>> -> memref<!tpu.dma_semaphore, #tpu.memory_space<semaphore_mem>>
        tpu.enqueue_indirect_dma source(%dma_start3A_634 : memref<1000000x64xf32, #tpu.memory_space<hbm>>) target(%dma_start3A_628 : memref<104x64xf32, #tpu.memory_space<vmem>>) offsets(%dma_start3A_631 : memref<104xi32, #tpu.memory_space<vmem>>) semaphore(%dma_start3A_636 : memref<!tpu.dma_semaphore, #tpu.memory_space<semaphore_mem>>)
      } else {
      }
      %mul3A_442 = arith.constant 8 : i32
      %mul3A_443 = arith.muli %scan3A_150, %mul3A_442 : i32
      %add3A_444 = arith.constant 5 : i32
      %add3A_445 = arith.addi %mul3A_443, %add3A_444 : i32
      %mul3A_446 = arith.constant 4 : i32
      %mul3A_447 = arith.muli %scan3A_150, %mul3A_446 : i32
      %add3A_448 = arith.constant 2 : i32
      %add3A_449 = arith.addi %mul3A_447, %add3A_448 : i32
      %dma_wait3A_450 = arith.constant 5 : i32
      %dma_wait3A_451 = arith.constant 5 : i32
      %dma_wait3A_452 = arith.constant 0 : i32
      %dma_wait3A_453 = arith.constant 0 : i32
      %dma_wait3A_454 = tpu.memref_slice %arg6[%dma_wait3A_450, %dma_wait3A_452, %dma_wait3A_453] : memref<8x104x64xf32, #tpu.memory_space<vmem>> -> memref<1x96x64xf32, #tpu.memory_space<vmem>>
      %dma_wait3A_455 = tpu.memref_squeeze %dma_wait3A_454 : memref<1x96x64xf32, #tpu.memory_space<vmem>> -> memref<96x64xf32, #tpu.memory_space<vmem>>
      %dma_wait3A_456 = arith.constant 0 : i32
      %dma_wait3A_457 = arith.constant 0 : i32
      %dma_wait3A_458 = tpu.memref_slice %arg3[%dma_wait3A_456, %dma_wait3A_457] : memref<1000000x64xf32, #tpu.memory_space<hbm>> -> memref<96x64xf32, #tpu.memory_space<hbm>>
      %dma_wait3A_459 = tpu.memref_slice %arg7[%dma_wait3A_451] : memref<8x!tpu.dma_semaphore, #tpu.memory_space<semaphore_mem>> -> memref<1x!tpu.dma_semaphore, #tpu.memory_space<semaphore_mem>>
      %dma_wait3A_460 = tpu.memref_squeeze %dma_wait3A_459 : memref<1x!tpu.dma_semaphore, #tpu.memory_space<semaphore_mem>> -> memref<!tpu.dma_semaphore, #tpu.memory_space<semaphore_mem>>
      %dma_wait3A_461 = arith.constant 0 : i32
      %dma_wait3A_462 = arith.constant 0 : i32
      %dma_wait3A_463 = tpu.memref_slice %arg6[%dma_wait3A_450, %dma_wait3A_461, %dma_wait3A_462] : memref<8x104x64xf32, #tpu.memory_space<vmem>> -> memref<1x96x64xf32, #tpu.memory_space<vmem>>
      %dma_wait3A_464 = tpu.memref_squeeze %dma_wait3A_463 : memref<1x96x64xf32, #tpu.memory_space<vmem>> -> memref<96x64xf32, #tpu.memory_space<vmem>>
      %dma_wait3A_465 = arith.constant 0 : i32
      %dma_wait3A_466 = arith.constant 0 : i32
      %dma_wait3A_467 = tpu.memref_slice %arg3[%dma_wait3A_465, %dma_wait3A_466] : memref<1000000x64xf32, #tpu.memory_space<hbm>> -> memref<96x64xf32, #tpu.memory_space<hbm>>
      tpu.wait_dma2 semaphore(%dma_wait3A_460 : memref<!tpu.dma_semaphore, #tpu.memory_space<semaphore_mem>>) src(%dma_wait3A_467 : memref<96x64xf32, #tpu.memory_space<hbm>>) dst(%dma_wait3A_464 : memref<96x64xf32, #tpu.memory_space<vmem>>)
      %add3A_468 = arith.addi %mul3A_2, %add3A_449 : i32
      %dma_start3A_469 = arith.constant 5 : i32
      %dma_start3A_470 = arith.constant 5 : i32
      %dma_start3A_471 = arith.constant 0 : i32
      %dma_start3A_472 = arith.constant 0 : i32
      %dma_start3A_473 = tpu.memref_slice %arg6[%dma_start3A_469, %dma_start3A_471, %dma_start3A_472] : memref<8x104x64xf32, #tpu.memory_space<vmem>> -> memref<1x96x64xf32, #tpu.memory_space<vmem>>
      %dma_start3A_474 = tpu.memref_squeeze %dma_start3A_473 : memref<1x96x64xf32, #tpu.memory_space<vmem>> -> memref<96x64xf32, #tpu.memory_space<vmem>>
      %dma_start3A_475 = arith.constant 104 : i32
      %dma_start3A_476 = arith.constant 0 : i32
      %dma_start3A_477 = tpu.memref_slice %arg4[%add3A_468, %dma_start3A_475, %dma_start3A_476] : memref<4096x200x64xf32, #tpu.memory_space<hbm>> -> memref<1x96x64xf32, #tpu.memory_space<hbm>>
      %dma_start3A_478 = tpu.memref_squeeze %dma_start3A_477 : memref<1x96x64xf32, #tpu.memory_space<hbm>> -> memref<96x64xf32, #tpu.memory_space<hbm>>
      %dma_start3A_479 = tpu.memref_slice %arg8[%dma_start3A_470] : memref<8x!tpu.dma_semaphore, #tpu.memory_space<semaphore_mem>> -> memref<1x!tpu.dma_semaphore, #tpu.memory_space<semaphore_mem>>
      %dma_start3A_480 = tpu.memref_squeeze %dma_start3A_479 : memref<1x!tpu.dma_semaphore, #tpu.memory_space<semaphore_mem>> -> memref<!tpu.dma_semaphore, #tpu.memory_space<semaphore_mem>>
      %dma_start3A_481 = arith.constant 104 : i32
      %dma_start3A_482 = arith.constant 0 : i32
      %dma_start3A_483 = tpu.memref_slice %arg4[%add3A_468, %dma_start3A_481, %dma_start3A_482] : memref<4096x200x64xf32, #tpu.memory_space<hbm>> -> memref<1x96x64xf32, #tpu.memory_space<hbm>>
      %dma_start3A_484 = tpu.memref_squeeze %dma_start3A_483 : memref<1x96x64xf32, #tpu.memory_space<hbm>> -> memref<96x64xf32, #tpu.memory_space<hbm>>
      %dma_start3A_485 = arith.constant 0 : i32
      %dma_start3A_486 = arith.constant 0 : i32
      %dma_start3A_487 = tpu.memref_slice %arg6[%dma_start3A_469, %dma_start3A_485, %dma_start3A_486] : memref<8x104x64xf32, #tpu.memory_space<vmem>> -> memref<1x96x64xf32, #tpu.memory_space<vmem>>
      %dma_start3A_488 = tpu.memref_squeeze %dma_start3A_487 : memref<1x96x64xf32, #tpu.memory_space<vmem>> -> memref<96x64xf32, #tpu.memory_space<vmem>>
      tpu.enqueue_dma source(%dma_start3A_488 : memref<96x64xf32, #tpu.memory_space<vmem>>) target(%dma_start3A_484 : memref<96x64xf32, #tpu.memory_space<hbm>>) target_semaphore(%dma_start3A_480 : memref<!tpu.dma_semaphore, #tpu.memory_space<semaphore_mem>>)
      %add3A_489 = arith.constant 4 : i32
      %add3A_490 = arith.addi %add3A_445, %add3A_489 : i32
      %ge3A_491 = arith.constant 4 : i32
      %ge3A_492 = arith.cmpi sge, %add3A_445, %ge3A_491 : i32
      %convert_element_type3A_493 = arith.extui %ge3A_492 : i1 to i32
      %cond3A_494 = arith.constant 0 : i32
      %cond3A_495 = arith.cmpi ne, %convert_element_type3A_493, %cond3A_494 : i32
      scf.if %cond3A_495 {
        %dma_wait3A_619 = arith.constant 1 : i32
        %dma_wait3A_620 = arith.constant 0 : i32
        %dma_wait3A_621 = arith.constant 1 : i32
        %dma_wait3A_622 = arith.constant 0 : i32
        %dma_wait3A_623 = arith.constant 0 : i32
        %dma_wait3A_624 = tpu.memref_slice %arg6[%dma_wait3A_619, %dma_wait3A_622, %dma_wait3A_623] : memref<8x104x64xf32, #tpu.memory_space<vmem>> -> memref<1x96x64xf32, #tpu.memory_space<vmem>>
        %dma_wait3A_625 = tpu.memref_squeeze %dma_wait3A_624 : memref<1x96x64xf32, #tpu.memory_space<vmem>> -> memref<96x64xf32, #tpu.memory_space<vmem>>
        %dma_wait3A_626 = arith.constant 0 : i32
        %dma_wait3A_627 = arith.constant 0 : i32
        %dma_wait3A_628 = tpu.memref_slice %arg4[%dma_wait3A_620, %dma_wait3A_626, %dma_wait3A_627] : memref<4096x200x64xf32, #tpu.memory_space<hbm>> -> memref<1x96x64xf32, #tpu.memory_space<hbm>>
        %dma_wait3A_629 = tpu.memref_squeeze %dma_wait3A_628 : memref<1x96x64xf32, #tpu.memory_space<hbm>> -> memref<96x64xf32, #tpu.memory_space<hbm>>
        %dma_wait3A_630 = tpu.memref_slice %arg8[%dma_wait3A_621] : memref<8x!tpu.dma_semaphore, #tpu.memory_space<semaphore_mem>> -> memref<1x!tpu.dma_semaphore, #tpu.memory_space<semaphore_mem>>
        %dma_wait3A_631 = tpu.memref_squeeze %dma_wait3A_630 : memref<1x!tpu.dma_semaphore, #tpu.memory_space<semaphore_mem>> -> memref<!tpu.dma_semaphore, #tpu.memory_space<semaphore_mem>>
        %dma_wait3A_632 = arith.constant 0 : i32
        %dma_wait3A_633 = arith.constant 0 : i32
        %dma_wait3A_634 = tpu.memref_slice %arg4[%dma_wait3A_620, %dma_wait3A_632, %dma_wait3A_633] : memref<4096x200x64xf32, #tpu.memory_space<hbm>> -> memref<1x96x64xf32, #tpu.memory_space<hbm>>
        %dma_wait3A_635 = tpu.memref_squeeze %dma_wait3A_634 : memref<1x96x64xf32, #tpu.memory_space<hbm>> -> memref<96x64xf32, #tpu.memory_space<hbm>>
        %dma_wait3A_636 = arith.constant 0 : i32
        %dma_wait3A_637 = arith.constant 0 : i32
        %dma_wait3A_638 = tpu.memref_slice %arg6[%dma_wait3A_619, %dma_wait3A_636, %dma_wait3A_637] : memref<8x104x64xf32, #tpu.memory_space<vmem>> -> memref<1x96x64xf32, #tpu.memory_space<vmem>>
        %dma_wait3A_639 = tpu.memref_squeeze %dma_wait3A_638 : memref<1x96x64xf32, #tpu.memory_space<vmem>> -> memref<96x64xf32, #tpu.memory_space<vmem>>
        tpu.wait_dma2 semaphore(%dma_wait3A_631 : memref<!tpu.dma_semaphore, #tpu.memory_space<semaphore_mem>>) src(%dma_wait3A_639 : memref<96x64xf32, #tpu.memory_space<vmem>>) dst(%dma_wait3A_635 : memref<96x64xf32, #tpu.memory_space<hbm>>)
      } else {
      }
      %lt3A_496 = arith.constant 256 : i32
      %lt3A_497 = arith.cmpi slt, %add3A_490, %lt3A_496 : i32
      %convert_element_type3A_498 = arith.extui %lt3A_497 : i1 to i32
      %cond3A_499 = arith.constant 0 : i32
      %cond3A_500 = arith.cmpi ne, %convert_element_type3A_498, %cond3A_499 : i32
      scf.if %cond3A_500 {
        %mul3A_619 = arith.constant 4 : i32
        %mul3A_620 = arith.muli %scan3A_150, %mul3A_619 : i32
        %add3A_621 = arith.constant 4 : i32
        %add3A_622 = arith.addi %mul3A_620, %add3A_621 : i32
        %dma_start3A_623 = arith.constant 1 : i32
        %dma_start3A_624 = arith.constant 1 : i32
        %dma_start3A_625 = arith.constant 0 : i32
        %dma_start3A_626 = arith.constant 0 : i32
        %dma_start3A_627 = tpu.memref_slice %arg6[%dma_start3A_623, %dma_start3A_625, %dma_start3A_626] : memref<8x104x64xf32, #tpu.memory_space<vmem>> -> memref<1x96x64xf32, #tpu.memory_space<vmem>>
        %dma_start3A_628 = tpu.memref_squeeze %dma_start3A_627 : memref<1x96x64xf32, #tpu.memory_space<vmem>> -> memref<96x64xf32, #tpu.memory_space<vmem>>
        %dma_start3A_629 = arith.constant 104 : i32
        %dma_start3A_630 = tpu.memref_slice %arg5[%add3A_622, %dma_start3A_629] : memref<128x200xi32, #tpu.memory_space<vmem>> -> memref<1x96xi32, #tpu.memory_space<vmem>>
        %dma_start3A_631 = tpu.memref_squeeze %dma_start3A_630 : memref<1x96xi32, #tpu.memory_space<vmem>> -> memref<96xi32, #tpu.memory_space<vmem>>
        %dma_start3A_632 = arith.constant 0 : i32
        %dma_start3A_633 = arith.constant 0 : i32
        %dma_start3A_634 = tpu.memref_slice %arg3[%dma_start3A_632, %dma_start3A_633] : memref<1000000x64xf32, #tpu.memory_space<hbm>> -> memref<1000000x64xf32, #tpu.memory_space<hbm>>
        %dma_start3A_635 = tpu.memref_slice %arg7[%dma_start3A_624] : memref<8x!tpu.dma_semaphore, #tpu.memory_space<semaphore_mem>> -> memref<1x!tpu.dma_semaphore, #tpu.memory_space<semaphore_mem>>
        %dma_start3A_636 = tpu.memref_squeeze %dma_start3A_635 : memref<1x!tpu.dma_semaphore, #tpu.memory_space<semaphore_mem>> -> memref<!tpu.dma_semaphore, #tpu.memory_space<semaphore_mem>>
        tpu.enqueue_indirect_dma source(%dma_start3A_634 : memref<1000000x64xf32, #tpu.memory_space<hbm>>) target(%dma_start3A_628 : memref<96x64xf32, #tpu.memory_space<vmem>>) offsets(%dma_start3A_631 : memref<96xi32, #tpu.memory_space<vmem>>) semaphore(%dma_start3A_636 : memref<!tpu.dma_semaphore, #tpu.memory_space<semaphore_mem>>)
      } else {
      }
      %mul3A_501 = arith.constant 8 : i32
      %mul3A_502 = arith.muli %scan3A_150, %mul3A_501 : i32
      %add3A_503 = arith.constant 6 : i32
      %add3A_504 = arith.addi %mul3A_502, %add3A_503 : i32
      %mul3A_505 = arith.constant 4 : i32
      %mul3A_506 = arith.muli %scan3A_150, %mul3A_505 : i32
      %add3A_507 = arith.constant 3 : i32
      %add3A_508 = arith.addi %mul3A_506, %add3A_507 : i32
      %dma_wait3A_509 = arith.constant 6 : i32
      %dma_wait3A_510 = arith.constant 6 : i32
      %dma_wait3A_511 = arith.constant 0 : i32
      %dma_wait3A_512 = arith.constant 0 : i32
      %dma_wait3A_513 = tpu.memref_slice %arg6[%dma_wait3A_509, %dma_wait3A_511, %dma_wait3A_512] : memref<8x104x64xf32, #tpu.memory_space<vmem>> -> memref<1x104x64xf32, #tpu.memory_space<vmem>>
      %dma_wait3A_514 = tpu.memref_squeeze %dma_wait3A_513 : memref<1x104x64xf32, #tpu.memory_space<vmem>> -> memref<104x64xf32, #tpu.memory_space<vmem>>
      %dma_wait3A_515 = arith.constant 0 : i32
      %dma_wait3A_516 = arith.constant 0 : i32
      %dma_wait3A_517 = tpu.memref_slice %arg3[%dma_wait3A_515, %dma_wait3A_516] : memref<1000000x64xf32, #tpu.memory_space<hbm>> -> memref<104x64xf32, #tpu.memory_space<hbm>>
      %dma_wait3A_518 = tpu.memref_slice %arg7[%dma_wait3A_510] : memref<8x!tpu.dma_semaphore, #tpu.memory_space<semaphore_mem>> -> memref<1x!tpu.dma_semaphore, #tpu.memory_space<semaphore_mem>>
      %dma_wait3A_519 = tpu.memref_squeeze %dma_wait3A_518 : memref<1x!tpu.dma_semaphore, #tpu.memory_space<semaphore_mem>> -> memref<!tpu.dma_semaphore, #tpu.memory_space<semaphore_mem>>
      %dma_wait3A_520 = arith.constant 0 : i32
      %dma_wait3A_521 = arith.constant 0 : i32
      %dma_wait3A_522 = tpu.memref_slice %arg6[%dma_wait3A_509, %dma_wait3A_520, %dma_wait3A_521] : memref<8x104x64xf32, #tpu.memory_space<vmem>> -> memref<1x104x64xf32, #tpu.memory_space<vmem>>
      %dma_wait3A_523 = tpu.memref_squeeze %dma_wait3A_522 : memref<1x104x64xf32, #tpu.memory_space<vmem>> -> memref<104x64xf32, #tpu.memory_space<vmem>>
      %dma_wait3A_524 = arith.constant 0 : i32
      %dma_wait3A_525 = arith.constant 0 : i32
      %dma_wait3A_526 = tpu.memref_slice %arg3[%dma_wait3A_524, %dma_wait3A_525] : memref<1000000x64xf32, #tpu.memory_space<hbm>> -> memref<104x64xf32, #tpu.memory_space<hbm>>
      tpu.wait_dma2 semaphore(%dma_wait3A_519 : memref<!tpu.dma_semaphore, #tpu.memory_space<semaphore_mem>>) src(%dma_wait3A_526 : memref<104x64xf32, #tpu.memory_space<hbm>>) dst(%dma_wait3A_523 : memref<104x64xf32, #tpu.memory_space<vmem>>)
      %add3A_527 = arith.addi %mul3A_2, %add3A_508 : i32
      %dma_start3A_528 = arith.constant 6 : i32
      %dma_start3A_529 = arith.constant 6 : i32
      %dma_start3A_530 = arith.constant 0 : i32
      %dma_start3A_531 = arith.constant 0 : i32
      %dma_start3A_532 = tpu.memref_slice %arg6[%dma_start3A_528, %dma_start3A_530, %dma_start3A_531] : memref<8x104x64xf32, #tpu.memory_space<vmem>> -> memref<1x104x64xf32, #tpu.memory_space<vmem>>
      %dma_start3A_533 = tpu.memref_squeeze %dma_start3A_532 : memref<1x104x64xf32, #tpu.memory_space<vmem>> -> memref<104x64xf32, #tpu.memory_space<vmem>>
      %dma_start3A_534 = arith.constant 0 : i32
      %dma_start3A_535 = arith.constant 0 : i32
      %dma_start3A_536 = tpu.memref_slice %arg4[%add3A_527, %dma_start3A_534, %dma_start3A_535] : memref<4096x200x64xf32, #tpu.memory_space<hbm>> -> memref<1x104x64xf32, #tpu.memory_space<hbm>>
      %dma_start3A_537 = tpu.memref_squeeze %dma_start3A_536 : memref<1x104x64xf32, #tpu.memory_space<hbm>> -> memref<104x64xf32, #tpu.memory_space<hbm>>
      %dma_start3A_538 = tpu.memref_slice %arg8[%dma_start3A_529] : memref<8x!tpu.dma_semaphore, #tpu.memory_space<semaphore_mem>> -> memref<1x!tpu.dma_semaphore, #tpu.memory_space<semaphore_mem>>
      %dma_start3A_539 = tpu.memref_squeeze %dma_start3A_538 : memref<1x!tpu.dma_semaphore, #tpu.memory_space<semaphore_mem>> -> memref<!tpu.dma_semaphore, #tpu.memory_space<semaphore_mem>>
      %dma_start3A_540 = arith.constant 0 : i32
      %dma_start3A_541 = arith.constant 0 : i32
      %dma_start3A_542 = tpu.memref_slice %arg4[%add3A_527, %dma_start3A_540, %dma_start3A_541] : memref<4096x200x64xf32, #tpu.memory_space<hbm>> -> memref<1x104x64xf32, #tpu.memory_space<hbm>>
      %dma_start3A_543 = tpu.memref_squeeze %dma_start3A_542 : memref<1x104x64xf32, #tpu.memory_space<hbm>> -> memref<104x64xf32, #tpu.memory_space<hbm>>
      %dma_start3A_544 = arith.constant 0 : i32
      %dma_start3A_545 = arith.constant 0 : i32
      %dma_start3A_546 = tpu.memref_slice %arg6[%dma_start3A_528, %dma_start3A_544, %dma_start3A_545] : memref<8x104x64xf32, #tpu.memory_space<vmem>> -> memref<1x104x64xf32, #tpu.memory_space<vmem>>
      %dma_start3A_547 = tpu.memref_squeeze %dma_start3A_546 : memref<1x104x64xf32, #tpu.memory_space<vmem>> -> memref<104x64xf32, #tpu.memory_space<vmem>>
      tpu.enqueue_dma source(%dma_start3A_547 : memref<104x64xf32, #tpu.memory_space<vmem>>) target(%dma_start3A_543 : memref<104x64xf32, #tpu.memory_space<hbm>>) target_semaphore(%dma_start3A_539 : memref<!tpu.dma_semaphore, #tpu.memory_space<semaphore_mem>>)
      %add3A_548 = arith.constant 4 : i32
      %add3A_549 = arith.addi %add3A_504, %add3A_548 : i32
      %ge3A_550 = arith.constant 4 : i32
      %ge3A_551 = arith.cmpi sge, %add3A_504, %ge3A_550 : i32
      %convert_element_type3A_552 = arith.extui %ge3A_551 : i1 to i32
      %cond3A_553 = arith.constant 0 : i32
      %cond3A_554 = arith.cmpi ne, %convert_element_type3A_552, %cond3A_553 : i32
      scf.if %cond3A_554 {
        %dma_wait3A_619 = arith.constant 2 : i32
        %dma_wait3A_620 = arith.constant 0 : i32
        %dma_wait3A_621 = arith.constant 2 : i32
        %dma_wait3A_622 = arith.constant 0 : i32
        %dma_wait3A_623 = arith.constant 0 : i32
        %dma_wait3A_624 = tpu.memref_slice %arg6[%dma_wait3A_619, %dma_wait3A_622, %dma_wait3A_623] : memref<8x104x64xf32, #tpu.memory_space<vmem>> -> memref<1x104x64xf32, #tpu.memory_space<vmem>>
        %dma_wait3A_625 = tpu.memref_squeeze %dma_wait3A_624 : memref<1x104x64xf32, #tpu.memory_space<vmem>> -> memref<104x64xf32, #tpu.memory_space<vmem>>
        %dma_wait3A_626 = arith.constant 0 : i32
        %dma_wait3A_627 = arith.constant 0 : i32
        %dma_wait3A_628 = tpu.memref_slice %arg4[%dma_wait3A_620, %dma_wait3A_626, %dma_wait3A_627] : memref<4096x200x64xf32, #tpu.memory_space<hbm>> -> memref<1x104x64xf32, #tpu.memory_space<hbm>>
        %dma_wait3A_629 = tpu.memref_squeeze %dma_wait3A_628 : memref<1x104x64xf32, #tpu.memory_space<hbm>> -> memref<104x64xf32, #tpu.memory_space<hbm>>
        %dma_wait3A_630 = tpu.memref_slice %arg8[%dma_wait3A_621] : memref<8x!tpu.dma_semaphore, #tpu.memory_space<semaphore_mem>> -> memref<1x!tpu.dma_semaphore, #tpu.memory_space<semaphore_mem>>
        %dma_wait3A_631 = tpu.memref_squeeze %dma_wait3A_630 : memref<1x!tpu.dma_semaphore, #tpu.memory_space<semaphore_mem>> -> memref<!tpu.dma_semaphore, #tpu.memory_space<semaphore_mem>>
        %dma_wait3A_632 = arith.constant 0 : i32
        %dma_wait3A_633 = arith.constant 0 : i32
        %dma_wait3A_634 = tpu.memref_slice %arg4[%dma_wait3A_620, %dma_wait3A_632, %dma_wait3A_633] : memref<4096x200x64xf32, #tpu.memory_space<hbm>> -> memref<1x104x64xf32, #tpu.memory_space<hbm>>
        %dma_wait3A_635 = tpu.memref_squeeze %dma_wait3A_634 : memref<1x104x64xf32, #tpu.memory_space<hbm>> -> memref<104x64xf32, #tpu.memory_space<hbm>>
        %dma_wait3A_636 = arith.constant 0 : i32
        %dma_wait3A_637 = arith.constant 0 : i32
        %dma_wait3A_638 = tpu.memref_slice %arg6[%dma_wait3A_619, %dma_wait3A_636, %dma_wait3A_637] : memref<8x104x64xf32, #tpu.memory_space<vmem>> -> memref<1x104x64xf32, #tpu.memory_space<vmem>>
        %dma_wait3A_639 = tpu.memref_squeeze %dma_wait3A_638 : memref<1x104x64xf32, #tpu.memory_space<vmem>> -> memref<104x64xf32, #tpu.memory_space<vmem>>
        tpu.wait_dma2 semaphore(%dma_wait3A_631 : memref<!tpu.dma_semaphore, #tpu.memory_space<semaphore_mem>>) src(%dma_wait3A_639 : memref<104x64xf32, #tpu.memory_space<vmem>>) dst(%dma_wait3A_635 : memref<104x64xf32, #tpu.memory_space<hbm>>)
      } else {
      }
      %lt3A_555 = arith.constant 256 : i32
      %lt3A_556 = arith.cmpi slt, %add3A_549, %lt3A_555 : i32
      %convert_element_type3A_557 = arith.extui %lt3A_556 : i1 to i32
      %cond3A_558 = arith.constant 0 : i32
      %cond3A_559 = arith.cmpi ne, %convert_element_type3A_557, %cond3A_558 : i32
      scf.if %cond3A_559 {
        %mul3A_619 = arith.constant 4 : i32
        %mul3A_620 = arith.muli %scan3A_150, %mul3A_619 : i32
        %add3A_621 = arith.constant 5 : i32
        %add3A_622 = arith.addi %mul3A_620, %add3A_621 : i32
        %dma_start3A_623 = arith.constant 2 : i32
        %dma_start3A_624 = arith.constant 2 : i32
        %dma_start3A_625 = arith.constant 0 : i32
        %dma_start3A_626 = arith.constant 0 : i32
        %dma_start3A_627 = tpu.memref_slice %arg6[%dma_start3A_623, %dma_start3A_625, %dma_start3A_626] : memref<8x104x64xf32, #tpu.memory_space<vmem>> -> memref<1x104x64xf32, #tpu.memory_space<vmem>>
        %dma_start3A_628 = tpu.memref_squeeze %dma_start3A_627 : memref<1x104x64xf32, #tpu.memory_space<vmem>> -> memref<104x64xf32, #tpu.memory_space<vmem>>
        %dma_start3A_629 = arith.constant 0 : i32
        %dma_start3A_630 = tpu.memref_slice %arg5[%add3A_622, %dma_start3A_629] : memref<128x200xi32, #tpu.memory_space<vmem>> -> memref<1x104xi32, #tpu.memory_space<vmem>>
        %dma_start3A_631 = tpu.memref_squeeze %dma_start3A_630 : memref<1x104xi32, #tpu.memory_space<vmem>> -> memref<104xi32, #tpu.memory_space<vmem>>
        %dma_start3A_632 = arith.constant 0 : i32
        %dma_start3A_633 = arith.constant 0 : i32
        %dma_start3A_634 = tpu.memref_slice %arg3[%dma_start3A_632, %dma_start3A_633] : memref<1000000x64xf32, #tpu.memory_space<hbm>> -> memref<1000000x64xf32, #tpu.memory_space<hbm>>
        %dma_start3A_635 = tpu.memref_slice %arg7[%dma_start3A_624] : memref<8x!tpu.dma_semaphore, #tpu.memory_space<semaphore_mem>> -> memref<1x!tpu.dma_semaphore, #tpu.memory_space<semaphore_mem>>
        %dma_start3A_636 = tpu.memref_squeeze %dma_start3A_635 : memref<1x!tpu.dma_semaphore, #tpu.memory_space<semaphore_mem>> -> memref<!tpu.dma_semaphore, #tpu.memory_space<semaphore_mem>>
        tpu.enqueue_indirect_dma source(%dma_start3A_634 : memref<1000000x64xf32, #tpu.memory_space<hbm>>) target(%dma_start3A_628 : memref<104x64xf32, #tpu.memory_space<vmem>>) offsets(%dma_start3A_631 : memref<104xi32, #tpu.memory_space<vmem>>) semaphore(%dma_start3A_636 : memref<!tpu.dma_semaphore, #tpu.memory_space<semaphore_mem>>)
      } else {
      }
      %mul3A_560 = arith.constant 8 : i32
      %mul3A_561 = arith.muli %scan3A_150, %mul3A_560 : i32
      %add3A_562 = arith.constant 7 : i32
      %add3A_563 = arith.addi %mul3A_561, %add3A_562 : i32
      %mul3A_564 = arith.constant 4 : i32
      %mul3A_565 = arith.muli %scan3A_150, %mul3A_564 : i32
      %add3A_566 = arith.constant 3 : i32
      %add3A_567 = arith.addi %mul3A_565, %add3A_566 : i32
      %dma_wait3A_568 = arith.constant 7 : i32
      %dma_wait3A_569 = arith.constant 7 : i32
      %dma_wait3A_570 = arith.constant 0 : i32
      %dma_wait3A_571 = arith.constant 0 : i32
      %dma_wait3A_572 = tpu.memref_slice %arg6[%dma_wait3A_568, %dma_wait3A_570, %dma_wait3A_571] : memref<8x104x64xf32, #tpu.memory_space<vmem>> -> memref<1x96x64xf32, #tpu.memory_space<vmem>>
      %dma_wait3A_573 = tpu.memref_squeeze %dma_wait3A_572 : memref<1x96x64xf32, #tpu.memory_space<vmem>> -> memref<96x64xf32, #tpu.memory_space<vmem>>
      %dma_wait3A_574 = arith.constant 0 : i32
      %dma_wait3A_575 = arith.constant 0 : i32
      %dma_wait3A_576 = tpu.memref_slice %arg3[%dma_wait3A_574, %dma_wait3A_575] : memref<1000000x64xf32, #tpu.memory_space<hbm>> -> memref<96x64xf32, #tpu.memory_space<hbm>>
      %dma_wait3A_577 = tpu.memref_slice %arg7[%dma_wait3A_569] : memref<8x!tpu.dma_semaphore, #tpu.memory_space<semaphore_mem>> -> memref<1x!tpu.dma_semaphore, #tpu.memory_space<semaphore_mem>>
      %dma_wait3A_578 = tpu.memref_squeeze %dma_wait3A_577 : memref<1x!tpu.dma_semaphore, #tpu.memory_space<semaphore_mem>> -> memref<!tpu.dma_semaphore, #tpu.memory_space<semaphore_mem>>
      %dma_wait3A_579 = arith.constant 0 : i32
      %dma_wait3A_580 = arith.constant 0 : i32
      %dma_wait3A_581 = tpu.memref_slice %arg6[%dma_wait3A_568, %dma_wait3A_579, %dma_wait3A_580] : memref<8x104x64xf32, #tpu.memory_space<vmem>> -> memref<1x96x64xf32, #tpu.memory_space<vmem>>
      %dma_wait3A_582 = tpu.memref_squeeze %dma_wait3A_581 : memref<1x96x64xf32, #tpu.memory_space<vmem>> -> memref<96x64xf32, #tpu.memory_space<vmem>>
      %dma_wait3A_583 = arith.constant 0 : i32
      %dma_wait3A_584 = arith.constant 0 : i32
      %dma_wait3A_585 = tpu.memref_slice %arg3[%dma_wait3A_583, %dma_wait3A_584] : memref<1000000x64xf32, #tpu.memory_space<hbm>> -> memref<96x64xf32, #tpu.memory_space<hbm>>
      tpu.wait_dma2 semaphore(%dma_wait3A_578 : memref<!tpu.dma_semaphore, #tpu.memory_space<semaphore_mem>>) src(%dma_wait3A_585 : memref<96x64xf32, #tpu.memory_space<hbm>>) dst(%dma_wait3A_582 : memref<96x64xf32, #tpu.memory_space<vmem>>)
      %add3A_586 = arith.addi %mul3A_2, %add3A_567 : i32
      %dma_start3A_587 = arith.constant 7 : i32
      %dma_start3A_588 = arith.constant 7 : i32
      %dma_start3A_589 = arith.constant 0 : i32
      %dma_start3A_590 = arith.constant 0 : i32
      %dma_start3A_591 = tpu.memref_slice %arg6[%dma_start3A_587, %dma_start3A_589, %dma_start3A_590] : memref<8x104x64xf32, #tpu.memory_space<vmem>> -> memref<1x96x64xf32, #tpu.memory_space<vmem>>
      %dma_start3A_592 = tpu.memref_squeeze %dma_start3A_591 : memref<1x96x64xf32, #tpu.memory_space<vmem>> -> memref<96x64xf32, #tpu.memory_space<vmem>>
      %dma_start3A_593 = arith.constant 104 : i32
      %dma_start3A_594 = arith.constant 0 : i32
      %dma_start3A_595 = tpu.memref_slice %arg4[%add3A_586, %dma_start3A_593, %dma_start3A_594] : memref<4096x200x64xf32, #tpu.memory_space<hbm>> -> memref<1x96x64xf32, #tpu.memory_space<hbm>>
      %dma_start3A_596 = tpu.memref_squeeze %dma_start3A_595 : memref<1x96x64xf32, #tpu.memory_space<hbm>> -> memref<96x64xf32, #tpu.memory_space<hbm>>
      %dma_start3A_597 = tpu.memref_slice %arg8[%dma_start3A_588] : memref<8x!tpu.dma_semaphore, #tpu.memory_space<semaphore_mem>> -> memref<1x!tpu.dma_semaphore, #tpu.memory_space<semaphore_mem>>
      %dma_start3A_598 = tpu.memref_squeeze %dma_start3A_597 : memref<1x!tpu.dma_semaphore, #tpu.memory_space<semaphore_mem>> -> memref<!tpu.dma_semaphore, #tpu.memory_space<semaphore_mem>>
      %dma_start3A_599 = arith.constant 104 : i32
      %dma_start3A_600 = arith.constant 0 : i32
      %dma_start3A_601 = tpu.memref_slice %arg4[%add3A_586, %dma_start3A_599, %dma_start3A_600] : memref<4096x200x64xf32, #tpu.memory_space<hbm>> -> memref<1x96x64xf32, #tpu.memory_space<hbm>>
      %dma_start3A_602 = tpu.memref_squeeze %dma_start3A_601 : memref<1x96x64xf32, #tpu.memory_space<hbm>> -> memref<96x64xf32, #tpu.memory_space<hbm>>
      %dma_start3A_603 = arith.constant 0 : i32
      %dma_start3A_604 = arith.constant 0 : i32
      %dma_start3A_605 = tpu.memref_slice %arg6[%dma_start3A_587, %dma_start3A_603, %dma_start3A_604] : memref<8x104x64xf32, #tpu.memory_space<vmem>> -> memref<1x96x64xf32, #tpu.memory_space<vmem>>
      %dma_start3A_606 = tpu.memref_squeeze %dma_start3A_605 : memref<1x96x64xf32, #tpu.memory_space<vmem>> -> memref<96x64xf32, #tpu.memory_space<vmem>>
      tpu.enqueue_dma source(%dma_start3A_606 : memref<96x64xf32, #tpu.memory_space<vmem>>) target(%dma_start3A_602 : memref<96x64xf32, #tpu.memory_space<hbm>>) target_semaphore(%dma_start3A_598 : memref<!tpu.dma_semaphore, #tpu.memory_space<semaphore_mem>>)
      %add3A_607 = arith.constant 4 : i32
      %add3A_608 = arith.addi %add3A_563, %add3A_607 : i32
      %ge3A_609 = arith.constant 4 : i32
      %ge3A_610 = arith.cmpi sge, %add3A_563, %ge3A_609 : i32
      %convert_element_type3A_611 = arith.extui %ge3A_610 : i1 to i32
      %cond3A_612 = arith.constant 0 : i32
      %cond3A_613 = arith.cmpi ne, %convert_element_type3A_611, %cond3A_612 : i32
      scf.if %cond3A_613 {
        %dma_wait3A_619 = arith.constant 3 : i32
        %dma_wait3A_620 = arith.constant 0 : i32
        %dma_wait3A_621 = arith.constant 3 : i32
        %dma_wait3A_622 = arith.constant 0 : i32
        %dma_wait3A_623 = arith.constant 0 : i32
        %dma_wait3A_624 = tpu.memref_slice %arg6[%dma_wait3A_619, %dma_wait3A_622, %dma_wait3A_623] : memref<8x104x64xf32, #tpu.memory_space<vmem>> -> memref<1x96x64xf32, #tpu.memory_space<vmem>>
        %dma_wait3A_625 = tpu.memref_squeeze %dma_wait3A_624 : memref<1x96x64xf32, #tpu.memory_space<vmem>> -> memref<96x64xf32, #tpu.memory_space<vmem>>
        %dma_wait3A_626 = arith.constant 0 : i32
        %dma_wait3A_627 = arith.constant 0 : i32
        %dma_wait3A_628 = tpu.memref_slice %arg4[%dma_wait3A_620, %dma_wait3A_626, %dma_wait3A_627] : memref<4096x200x64xf32, #tpu.memory_space<hbm>> -> memref<1x96x64xf32, #tpu.memory_space<hbm>>
        %dma_wait3A_629 = tpu.memref_squeeze %dma_wait3A_628 : memref<1x96x64xf32, #tpu.memory_space<hbm>> -> memref<96x64xf32, #tpu.memory_space<hbm>>
        %dma_wait3A_630 = tpu.memref_slice %arg8[%dma_wait3A_621] : memref<8x!tpu.dma_semaphore, #tpu.memory_space<semaphore_mem>> -> memref<1x!tpu.dma_semaphore, #tpu.memory_space<semaphore_mem>>
        %dma_wait3A_631 = tpu.memref_squeeze %dma_wait3A_630 : memref<1x!tpu.dma_semaphore, #tpu.memory_space<semaphore_mem>> -> memref<!tpu.dma_semaphore, #tpu.memory_space<semaphore_mem>>
        %dma_wait3A_632 = arith.constant 0 : i32
        %dma_wait3A_633 = arith.constant 0 : i32
        %dma_wait3A_634 = tpu.memref_slice %arg4[%dma_wait3A_620, %dma_wait3A_632, %dma_wait3A_633] : memref<4096x200x64xf32, #tpu.memory_space<hbm>> -> memref<1x96x64xf32, #tpu.memory_space<hbm>>
        %dma_wait3A_635 = tpu.memref_squeeze %dma_wait3A_634 : memref<1x96x64xf32, #tpu.memory_space<hbm>> -> memref<96x64xf32, #tpu.memory_space<hbm>>
        %dma_wait3A_636 = arith.constant 0 : i32
        %dma_wait3A_637 = arith.constant 0 : i32
        %dma_wait3A_638 = tpu.memref_slice %arg6[%dma_wait3A_619, %dma_wait3A_636, %dma_wait3A_637] : memref<8x104x64xf32, #tpu.memory_space<vmem>> -> memref<1x96x64xf32, #tpu.memory_space<vmem>>
        %dma_wait3A_639 = tpu.memref_squeeze %dma_wait3A_638 : memref<1x96x64xf32, #tpu.memory_space<vmem>> -> memref<96x64xf32, #tpu.memory_space<vmem>>
        tpu.wait_dma2 semaphore(%dma_wait3A_631 : memref<!tpu.dma_semaphore, #tpu.memory_space<semaphore_mem>>) src(%dma_wait3A_639 : memref<96x64xf32, #tpu.memory_space<vmem>>) dst(%dma_wait3A_635 : memref<96x64xf32, #tpu.memory_space<hbm>>)
      } else {
      }
      %lt3A_614 = arith.constant 256 : i32
      %lt3A_615 = arith.cmpi slt, %add3A_608, %lt3A_614 : i32
      %convert_element_type3A_616 = arith.extui %lt3A_615 : i1 to i32
      %cond3A_617 = arith.constant 0 : i32
      %cond3A_618 = arith.cmpi ne, %convert_element_type3A_616, %cond3A_617 : i32
      scf.if %cond3A_618 {
        %mul3A_619 = arith.constant 4 : i32
        %mul3A_620 = arith.muli %scan3A_150, %mul3A_619 : i32
        %add3A_621 = arith.constant 5 : i32
        %add3A_622 = arith.addi %mul3A_620, %add3A_621 : i32
        %dma_start3A_623 = arith.constant 3 : i32
        %dma_start3A_624 = arith.constant 3 : i32
        %dma_start3A_625 = arith.constant 0 : i32
        %dma_start3A_626 = arith.constant 0 : i32
        %dma_start3A_627 = tpu.memref_slice %arg6[%dma_start3A_623, %dma_start3A_625, %dma_start3A_626] : memref<8x104x64xf32, #tpu.memory_space<vmem>> -> memref<1x96x64xf32, #tpu.memory_space<vmem>>
        %dma_start3A_628 = tpu.memref_squeeze %dma_start3A_627 : memref<1x96x64xf32, #tpu.memory_space<vmem>> -> memref<96x64xf32, #tpu.memory_space<vmem>>
        %dma_start3A_629 = arith.constant 104 : i32
        %dma_start3A_630 = tpu.memref_slice %arg5[%add3A_622, %dma_start3A_629] : memref<128x200xi32, #tpu.memory_space<vmem>> -> memref<1x96xi32, #tpu.memory_space<vmem>>
        %dma_start3A_631 = tpu.memref_squeeze %dma_start3A_630 : memref<1x96xi32, #tpu.memory_space<vmem>> -> memref<96xi32, #tpu.memory_space<vmem>>
        %dma_start3A_632 = arith.constant 0 : i32
        %dma_start3A_633 = arith.constant 0 : i32
        %dma_start3A_634 = tpu.memref_slice %arg3[%dma_start3A_632, %dma_start3A_633] : memref<1000000x64xf32, #tpu.memory_space<hbm>> -> memref<1000000x64xf32, #tpu.memory_space<hbm>>
        %dma_start3A_635 = tpu.memref_slice %arg7[%dma_start3A_624] : memref<8x!tpu.dma_semaphore, #tpu.memory_space<semaphore_mem>> -> memref<1x!tpu.dma_semaphore, #tpu.memory_space<semaphore_mem>>
        %dma_start3A_636 = tpu.memref_squeeze %dma_start3A_635 : memref<1x!tpu.dma_semaphore, #tpu.memory_space<semaphore_mem>> -> memref<!tpu.dma_semaphore, #tpu.memory_space<semaphore_mem>>
        tpu.enqueue_indirect_dma source(%dma_start3A_634 : memref<1000000x64xf32, #tpu.memory_space<hbm>>) target(%dma_start3A_628 : memref<96x64xf32, #tpu.memory_space<vmem>>) offsets(%dma_start3A_631 : memref<96xi32, #tpu.memory_space<vmem>>) semaphore(%dma_start3A_636 : memref<!tpu.dma_semaphore, #tpu.memory_space<semaphore_mem>>)
      } else {
      }
    }
    %scan3A_66 = arith.constant 32 : i32
    %dma_wait3A = arith.constant 4 : i32
    %dma_wait3A_67 = arith.constant 0 : i32
    %dma_wait3A_68 = arith.constant 4 : i32
    %dma_wait3A_69 = arith.constant 0 : i32
    %dma_wait3A_70 = arith.constant 0 : i32
    %dma_wait3A_71 = tpu.memref_slice %arg6[%dma_wait3A, %dma_wait3A_69, %dma_wait3A_70] : memref<8x104x64xf32, #tpu.memory_space<vmem>> -> memref<1x104x64xf32, #tpu.memory_space<vmem>>
    %dma_wait3A_72 = tpu.memref_squeeze %dma_wait3A_71 : memref<1x104x64xf32, #tpu.memory_space<vmem>> -> memref<104x64xf32, #tpu.memory_space<vmem>>
    %dma_wait3A_73 = arith.constant 0 : i32
    %dma_wait3A_74 = arith.constant 0 : i32
    %dma_wait3A_75 = tpu.memref_slice %arg4[%dma_wait3A_67, %dma_wait3A_73, %dma_wait3A_74] : memref<4096x200x64xf32, #tpu.memory_space<hbm>> -> memref<1x104x64xf32, #tpu.memory_space<hbm>>
    %dma_wait3A_76 = tpu.memref_squeeze %dma_wait3A_75 : memref<1x104x64xf32, #tpu.memory_space<hbm>> -> memref<104x64xf32, #tpu.memory_space<hbm>>
    %dma_wait3A_77 = tpu.memref_slice %arg8[%dma_wait3A_68] : memref<8x!tpu.dma_semaphore, #tpu.memory_space<semaphore_mem>> -> memref<1x!tpu.dma_semaphore, #tpu.memory_space<semaphore_mem>>
    %dma_wait3A_78 = tpu.memref_squeeze %dma_wait3A_77 : memref<1x!tpu.dma_semaphore, #tpu.memory_space<semaphore_mem>> -> memref<!tpu.dma_semaphore, #tpu.memory_space<semaphore_mem>>
    %dma_wait3A_79 = arith.constant 0 : i32
    %dma_wait3A_80 = arith.constant 0 : i32
    %dma_wait3A_81 = tpu.memref_slice %arg4[%dma_wait3A_67, %dma_wait3A_79, %dma_wait3A_80] : memref<4096x200x64xf32, #tpu.memory_space<hbm>> -> memref<1x104x64xf32, #tpu.memory_space<hbm>>
    %dma_wait3A_82 = tpu.memref_squeeze %dma_wait3A_81 : memref<1x104x64xf32, #tpu.memory_space<hbm>> -> memref<104x64xf32, #tpu.memory_space<hbm>>
    %dma_wait3A_83 = arith.constant 0 : i32
    %dma_wait3A_84 = arith.constant 0 : i32
    %dma_wait3A_85 = tpu.memref_slice %arg6[%dma_wait3A, %dma_wait3A_83, %dma_wait3A_84] : memref<8x104x64xf32, #tpu.memory_space<vmem>> -> memref<1x104x64xf32, #tpu.memory_space<vmem>>
    %dma_wait3A_86 = tpu.memref_squeeze %dma_wait3A_85 : memref<1x104x64xf32, #tpu.memory_space<vmem>> -> memref<104x64xf32, #tpu.memory_space<vmem>>
    tpu.wait_dma2 semaphore(%dma_wait3A_78 : memref<!tpu.dma_semaphore, #tpu.memory_space<semaphore_mem>>) src(%dma_wait3A_86 : memref<104x64xf32, #tpu.memory_space<vmem>>) dst(%dma_wait3A_82 : memref<104x64xf32, #tpu.memory_space<hbm>>)
    %dma_wait3A_87 = arith.constant 5 : i32
    %dma_wait3A_88 = arith.constant 0 : i32
    %dma_wait3A_89 = arith.constant 5 : i32
    %dma_wait3A_90 = arith.constant 0 : i32
    %dma_wait3A_91 = arith.constant 0 : i32
    %dma_wait3A_92 = tpu.memref_slice %arg6[%dma_wait3A_87, %dma_wait3A_90, %dma_wait3A_91] : memref<8x104x64xf32, #tpu.memory_space<vmem>> -> memref<1x96x64xf32, #tpu.memory_space<vmem>>
    %dma_wait3A_93 = tpu.memref_squeeze %dma_wait3A_92 : memref<1x96x64xf32, #tpu.memory_space<vmem>> -> memref<96x64xf32, #tpu.memory_space<vmem>>
    %dma_wait3A_94 = arith.constant 0 : i32
    %dma_wait3A_95 = arith.constant 0 : i32
    %dma_wait3A_96 = tpu.memref_slice %arg4[%dma_wait3A_88, %dma_wait3A_94, %dma_wait3A_95] : memref<4096x200x64xf32, #tpu.memory_space<hbm>> -> memref<1x96x64xf32, #tpu.memory_space<hbm>>
    %dma_wait3A_97 = tpu.memref_squeeze %dma_wait3A_96 : memref<1x96x64xf32, #tpu.memory_space<hbm>> -> memref<96x64xf32, #tpu.memory_space<hbm>>
    %dma_wait3A_98 = tpu.memref_slice %arg8[%dma_wait3A_89] : memref<8x!tpu.dma_semaphore, #tpu.memory_space<semaphore_mem>> -> memref<1x!tpu.dma_semaphore, #tpu.memory_space<semaphore_mem>>
    %dma_wait3A_99 = tpu.memref_squeeze %dma_wait3A_98 : memref<1x!tpu.dma_semaphore, #tpu.memory_space<semaphore_mem>> -> memref<!tpu.dma_semaphore, #tpu.memory_space<semaphore_mem>>
    %dma_wait3A_100 = arith.constant 0 : i32
    %dma_wait3A_101 = arith.constant 0 : i32
    %dma_wait3A_102 = tpu.memref_slice %arg4[%dma_wait3A_88, %dma_wait3A_100, %dma_wait3A_101] : memref<4096x200x64xf32, #tpu.memory_space<hbm>> -> memref<1x96x64xf32, #tpu.memory_space<hbm>>
    %dma_wait3A_103 = tpu.memref_squeeze %dma_wait3A_102 : memref<1x96x64xf32, #tpu.memory_space<hbm>> -> memref<96x64xf32, #tpu.memory_space<hbm>>
    %dma_wait3A_104 = arith.constant 0 : i32
    %dma_wait3A_105 = arith.constant 0 : i32
    %dma_wait3A_106 = tpu.memref_slice %arg6[%dma_wait3A_87, %dma_wait3A_104, %dma_wait3A_105] : memref<8x104x64xf32, #tpu.memory_space<vmem>> -> memref<1x96x64xf32, #tpu.memory_space<vmem>>
    %dma_wait3A_107 = tpu.memref_squeeze %dma_wait3A_106 : memref<1x96x64xf32, #tpu.memory_space<vmem>> -> memref<96x64xf32, #tpu.memory_space<vmem>>
    tpu.wait_dma2 semaphore(%dma_wait3A_99 : memref<!tpu.dma_semaphore, #tpu.memory_space<semaphore_mem>>) src(%dma_wait3A_107 : memref<96x64xf32, #tpu.memory_space<vmem>>) dst(%dma_wait3A_103 : memref<96x64xf32, #tpu.memory_space<hbm>>)
    %dma_wait3A_108 = arith.constant 6 : i32
    %dma_wait3A_109 = arith.constant 0 : i32
    %dma_wait3A_110 = arith.constant 6 : i32
    %dma_wait3A_111 = arith.constant 0 : i32
    %dma_wait3A_112 = arith.constant 0 : i32
    %dma_wait3A_113 = tpu.memref_slice %arg6[%dma_wait3A_108, %dma_wait3A_111, %dma_wait3A_112] : memref<8x104x64xf32, #tpu.memory_space<vmem>> -> memref<1x104x64xf32, #tpu.memory_space<vmem>>
    %dma_wait3A_114 = tpu.memref_squeeze %dma_wait3A_113 : memref<1x104x64xf32, #tpu.memory_space<vmem>> -> memref<104x64xf32, #tpu.memory_space<vmem>>
    %dma_wait3A_115 = arith.constant 0 : i32
    %dma_wait3A_116 = arith.constant 0 : i32
    %dma_wait3A_117 = tpu.memref_slice %arg4[%dma_wait3A_109, %dma_wait3A_115, %dma_wait3A_116] : memref<4096x200x64xf32, #tpu.memory_space<hbm>> -> memref<1x104x64xf32, #tpu.memory_space<hbm>>
    %dma_wait3A_118 = tpu.memref_squeeze %dma_wait3A_117 : memref<1x104x64xf32, #tpu.memory_space<hbm>> -> memref<104x64xf32, #tpu.memory_space<hbm>>
    %dma_wait3A_119 = tpu.memref_slice %arg8[%dma_wait3A_110] : memref<8x!tpu.dma_semaphore, #tpu.memory_space<semaphore_mem>> -> memref<1x!tpu.dma_semaphore, #tpu.memory_space<semaphore_mem>>
    %dma_wait3A_120 = tpu.memref_squeeze %dma_wait3A_119 : memref<1x!tpu.dma_semaphore, #tpu.memory_space<semaphore_mem>> -> memref<!tpu.dma_semaphore, #tpu.memory_space<semaphore_mem>>
    %dma_wait3A_121 = arith.constant 0 : i32
    %dma_wait3A_122 = arith.constant 0 : i32
    %dma_wait3A_123 = tpu.memref_slice %arg4[%dma_wait3A_109, %dma_wait3A_121, %dma_wait3A_122] : memref<4096x200x64xf32, #tpu.memory_space<hbm>> -> memref<1x104x64xf32, #tpu.memory_space<hbm>>
    %dma_wait3A_124 = tpu.memref_squeeze %dma_wait3A_123 : memref<1x104x64xf32, #tpu.memory_space<hbm>> -> memref<104x64xf32, #tpu.memory_space<hbm>>
    %dma_wait3A_125 = arith.constant 0 : i32
    %dma_wait3A_126 = arith.constant 0 : i32
    %dma_wait3A_127 = tpu.memref_slice %arg6[%dma_wait3A_108, %dma_wait3A_125, %dma_wait3A_126] : memref<8x104x64xf32, #tpu.memory_space<vmem>> -> memref<1x104x64xf32, #tpu.memory_space<vmem>>
    %dma_wait3A_128 = tpu.memref_squeeze %dma_wait3A_127 : memref<1x104x64xf32, #tpu.memory_space<vmem>> -> memref<104x64xf32, #tpu.memory_space<vmem>>
    tpu.wait_dma2 semaphore(%dma_wait3A_120 : memref<!tpu.dma_semaphore, #tpu.memory_space<semaphore_mem>>) src(%dma_wait3A_128 : memref<104x64xf32, #tpu.memory_space<vmem>>) dst(%dma_wait3A_124 : memref<104x64xf32, #tpu.memory_space<hbm>>)
    %dma_wait3A_129 = arith.constant 7 : i32
    %dma_wait3A_130 = arith.constant 0 : i32
    %dma_wait3A_131 = arith.constant 7 : i32
    %dma_wait3A_132 = arith.constant 0 : i32
    %dma_wait3A_133 = arith.constant 0 : i32
    %dma_wait3A_134 = tpu.memref_slice %arg6[%dma_wait3A_129, %dma_wait3A_132, %dma_wait3A_133] : memref<8x104x64xf32, #tpu.memory_space<vmem>> -> memref<1x96x64xf32, #tpu.memory_space<vmem>>
    %dma_wait3A_135 = tpu.memref_squeeze %dma_wait3A_134 : memref<1x96x64xf32, #tpu.memory_space<vmem>> -> memref<96x64xf32, #tpu.memory_space<vmem>>
    %dma_wait3A_136 = arith.constant 0 : i32
    %dma_wait3A_137 = arith.constant 0 : i32
    %dma_wait3A_138 = tpu.memref_slice %arg4[%dma_wait3A_130, %dma_wait3A_136, %dma_wait3A_137] : memref<4096x200x64xf32, #tpu.memory_space<hbm>> -> memref<1x96x64xf32, #tpu.memory_space<hbm>>
    %dma_wait3A_139 = tpu.memref_squeeze %dma_wait3A_138 : memref<1x96x64xf32, #tpu.memory_space<hbm>> -> memref<96x64xf32, #tpu.memory_space<hbm>>
    %dma_wait3A_140 = tpu.memref_slice %arg8[%dma_wait3A_131] : memref<8x!tpu.dma_semaphore, #tpu.memory_space<semaphore_mem>> -> memref<1x!tpu.dma_semaphore, #tpu.memory_space<semaphore_mem>>
    %dma_wait3A_141 = tpu.memref_squeeze %dma_wait3A_140 : memref<1x!tpu.dma_semaphore, #tpu.memory_space<semaphore_mem>> -> memref<!tpu.dma_semaphore, #tpu.memory_space<semaphore_mem>>
    %dma_wait3A_142 = arith.constant 0 : i32
    %dma_wait3A_143 = arith.constant 0 : i32
    %dma_wait3A_144 = tpu.memref_slice %arg4[%dma_wait3A_130, %dma_wait3A_142, %dma_wait3A_143] : memref<4096x200x64xf32, #tpu.memory_space<hbm>> -> memref<1x96x64xf32, #tpu.memory_space<hbm>>
    %dma_wait3A_145 = tpu.memref_squeeze %dma_wait3A_144 : memref<1x96x64xf32, #tpu.memory_space<hbm>> -> memref<96x64xf32, #tpu.memory_space<hbm>>
    %dma_wait3A_146 = arith.constant 0 : i32
    %dma_wait3A_147 = arith.constant 0 : i32
    %dma_wait3A_148 = tpu.memref_slice %arg6[%dma_wait3A_129, %dma_wait3A_146, %dma_wait3A_147] : memref<8x104x64xf32, #tpu.memory_space<vmem>> -> memref<1x96x64xf32, #tpu.memory_space<vmem>>
    %dma_wait3A_149 = tpu.memref_squeeze %dma_wait3A_148 : memref<1x96x64xf32, #tpu.memory_space<vmem>> -> memref<96x64xf32, #tpu.memory_space<vmem>>
    tpu.wait_dma2 semaphore(%dma_wait3A_141 : memref<!tpu.dma_semaphore, #tpu.memory_space<semaphore_mem>>) src(%dma_wait3A_149 : memref<96x64xf32, #tpu.memory_space<vmem>>) dst(%dma_wait3A_145 : memref<96x64xf32, #tpu.memory_space<hbm>>)
    return
  }
}

</mosaic_0001>

<sc_bundles>
// kernel: kernel.3.cloned.1.call-start
scs
__scs_entry_jumppad:
0x0: {  	(pc) =	sbr.rel $0x88, $3  }
0x1: {  	(tag) =	ssettag $0x0;
	lr =	simm.s32 $0x1  }
0x2: {  	[smem:$0x3F9F] =	sst lr;
	_ =	strace $0xD0000000  }
0x3: {  	_ = 	snop  }
0x4: {  	_ = 	snop  }
0x5: {  	_ = 	snop  }
0x6: {  	_ = 	snop  }
0x7: {  	_ = 	snop  }
__scs_overlays_trampoline_lowered:
0x8: {  	[smem:$0x3FAE] =	sst s0  }
0x9: {  	[smem:$0x3FAF] =	sst s1  }
0xa: {  	[smem:$0x3FB0] =	sst s2  }
0xb: {  	[smem:$0x3FB1] =	sst s3  }
0xc: {  	[smem:$0x3FB2] =	sst s4  }
0xd: {  	[smem:$0x3FB3] =	sst s5  }
0xe: {  	[smem:$0x3FB4] =	sst s6  }
0xf: {  	[smem:$0x3FB5] =	sst s7  }
0x10: {  	[smem:$0x3FB6] =	sst s8  }
0x11: {  	[smem:$0x3FB7] =	sst s9;
	s0 =	simm.s32 @!p0 $0x0  }
0x12: {  	s1 =	sld [smem:$0x3F9D];
	s0 =	simm.s32 @p0 $0x1  }
0x13: {  	[smem:$0x3FB8] =	sst s0;
	s0 =	simm.s32 @!p1 $0x0  }
0x14: {  	s2 =	sld [smem:$0x3F9C];
	s0 =	simm.s32 @p1 $0x1  }
0x15: {  	[smem:$0x3FB9] =	sst s0;
	s0 =	simm.s32 @!p2 $0x0  }
0x16: {  	s3 =	sld [smem:$0x3FDB];
	s0 =	simm.s32 @p2 $0x1  }
0x17: {  	s4 =	simm.s32 $0x1BF5;
	[smem:$0x3FBB] =	sst s0  }
0x18: {  	s0 =	sld [smem:$0x3F9E];
	_ =	swait.ge [sflag:s4], $0x0  }
0x19: {  	s7 =	sld [smem:$0x3F9F]  }
0x1a: {  	s8 =	sadd.s32 $0xFFFFE003, lr  }
0x1b: {  	s9 =	sadd.s32 $0xFFFFFEF7, lr;
	s5 =	simm.s32 $0xFFFFFFFF;
	p2 =	slt.u32 s8, $0xFFFFF086  }
0x1c: {  	p1 =	slt.u32 s9, $0xF7A;
	s5 =	simm.s32 @!p2 $0x0  }
0x1d: {  	s5 =	simm.s32 @p1 $0x1;
	p0 =	seq.s32 s7, s2  }
0x1e: {  	s7 =	smul.u32 @!p0 $0xF7A, s2;
	p2 =	seq.s32 @!p0 s5, $0x0  }
0x1f: {  	s9 =	smul.u32 $0xF7A, s1;
	s8 =	simm.s32 @!p0 $0x1BF5;
	p2 =	por !p2, p0  }
0x20: {  	[sflag:s8] =	ssyncset.s32 @!p0 $0xFFFFF086;
	s6 =	sadd.s32 @!p0 s3, s7;
	s7 =	simm.s32 @!p0 $0x108  }
0x21: {  	s3 =	sadd.s32 s3, s9;
	s6 =	sadd.s32 @!p0 $0x88, s6;
	s7 =	simm.s32 @p2 $0x1082  }
0x22: {  	[simem:s7], [sflag:s8] =	dma.local @!p0 [hbm:s6], $0xF7A  }
0x23: {  	s9 =	sor.u32 $0xD0000000, s2;
	s6 =	simm.s32 $0x108;
	_ =	swait.ge @!p0 [sflag:s8], $0x0  }
0x24: {  	s3 =	sadd.s32 $0x88, s3;
	s6 =	simm.s32 @!p1 $0x1082;
	[sflag:s4] =	ssyncset.s32 $0xFFFFF086  }
0x25: {  	[simem:s6], [sflag:s4] =	dma.local [hbm:s3], $0xF7A  }
0x26: {  	[smem:$0x3F9F] =	sst s1;
	(tag) =	ssettag s2;
	_ =	strace s9  }
0x27: {  	s1 =	sld [smem:$0x3FAF]  }
0x28: {  	s2 =	sld [smem:$0x3FB0]  }
0x29: {  	s4 =	sld [smem:$0x3FB2]  }
0x2a: {  	p0 =	seq.s32 s5, $0x0;
	s5 =	sld [smem:$0x3FB3]  }
0x2b: {  	s6 =	sld [smem:$0x3FB4]  }
0x2c: {  	s7 =	sld [smem:$0x3FB5]  }
0x2d: {  	s3 =	simm.s32 $0x108;
	s8 =	sld [smem:$0x3FB6]  }
0x2e: {  	s3 =	simm.s32 @!p0 $0x1082;
	s9 =	sld [smem:$0x3FB7]  }
0x2f: {  	lr =	sadd.s32 s0, s3;
	s0 =	sld [smem:$0x3FAE]  }
0x30: {  	s3 =	sld [smem:$0x3FB1]  }
0x31: {  	[smem:$0x3FBA] =	sst s10  }
0x32: {  	s10 =	sld [smem:$0x3FB8];
	_ =	sdelay $0x3  }
0x33: {  	p0 =	seq.s32 s10, $0x1;
	s10 =	sld [smem:$0x3FBA];
	_ =	sdelay $0x3  }
0x34: {  	[smem:$0x3FBA] =	sst s10  }
0x35: {  	s10 =	sld [smem:$0x3FB9];
	_ =	sdelay $0x3  }
0x36: {  	p1 =	seq.s32 s10, $0x1;
	s10 =	sld [smem:$0x3FBA];
	_ =	sdelay $0x3  }
0x37: {  	[smem:$0x3FBA] =	sst s10  }
0x38: {  	s10 =	sld [smem:$0x3FBB]  }
0x39: {  	_ = 	snop;
	(pc) =	sbr.ind lr, $3  }
0x3a: {  	_ = 	snop  }
0x3b: {  	_ = 	snop  }
0x3c: {  	p2 =	seq.s32 s10, $0x1;
	s10 =	sld [smem:$0x3FBA]  }
0x3d: {  	_ =	shalt  }
0x3e: {  	_ =	shalt  }
0x3f: {  	_ =	shalt  }
0x40: {  	_ =	shalt  }
0x41: {  	_ =	shalt  }
0x42: {  	_ =	shalt  }
0x43: {  	_ =	shalt  }
0x44: {  	_ =	shalt  }
0x45: {  	_ =	shalt  }
0x46: {  	_ =	shalt  }
0x47: {  	_ =	shalt  }
0x48: {  	_ =	shalt  }
0x49: {  	_ =	shalt  }
0x4a: {  	_ =	shalt  }
0x4b: {  	_ =	shalt  }
0x4c: {  	_ =	shalt  }
0x4d: {  	_ =	shalt  }
0x4e: {  	_ =	shalt  }
0x4f: {  	_ =	shalt  }
0x50: {  	_ =	shalt  }
0x51: {  	_ =	shalt  }
0x52: {  	_ =	shalt  }
0x53: {  	_ =	shalt  }
0x54: {  	_ =	shalt  }
0x55: {  	_ =	shalt  }
0x56: {  	_ =	shalt  }
0x57: {  	_ =	shalt  }
0x58: {  	_ =	shalt  }
0x59: {  	_ =	shalt  }
0x5a: {  	_ =	shalt  }
0x5b: {  	_ =	shalt  }
0x5c: {  	_ =	shalt  }
0x5d: {  	_ =	shalt  }
0x5e: {  	_ =	shalt  }
0x5f: {  	_ =	shalt  }
0x60: {  	_ =	shalt  }
0x61: {  	_ =	shalt  }
0x62: {  	_ =	shalt  }
0x63: {  	_ =	shalt  }
0x64: {  	_ =	shalt  }
0x65: {  	_ =	shalt  }
0x66: {  	_ =	shalt  }
0x67: {  	_ =	shalt  }
0x68: {  	_ =	shalt  }
0x69: {  	_ =	shalt  }
0x6a: {  	_ =	shalt  }
0x6b: {  	_ =	shalt  }
0x6c: {  	_ =	shalt  }
0x6d: {  	_ =	shalt  }
0x6e: {  	_ =	shalt  }
0x6f: {  	_ =	shalt  }
0x70: {  	_ =	shalt  }
0x71: {  	_ =	shalt  }
0x72: {  	_ =	shalt  }
0x73: {  	_ =	shalt  }
0x74: {  	_ =	shalt  }
0x75: {  	_ =	shalt  }
0x76: {  	_ =	shalt  }
0x77: {  	_ =	shalt  }
0x78: {  	_ =	shalt  }
0x79: {  	_ =	shalt  }
0x7a: {  	_ =	shalt  }
0x7b: {  	_ =	shalt  }
0x7c: {  	_ =	shalt  }
0x7d: {  	_ =	shalt  }
0x7e: {  	_ =	shalt  }
0x7f: {  	_ =	shalt  }
0x80: {  	_ =	shalt  }
0x81: {  	_ =	shalt  }
0x82: {  	_ =	shalt  }
0x83: {  	_ =	shalt  }
0x84: {  	_ =	shalt  }
0x85: {  	_ =	shalt  }
0x86: {  	_ =	shalt  }
0x87: {  	_ =	shalt  }
.Lfunc_end0:
.L_simem_size_0:
called_computation.1_lowered:
.L_overlay_start_0:
0x88: {  	s2 =	sld [smem:$0x3FD9]  }
0x89: {  	s3 =	sld [smem:$0x3FFE];
	_ =	sdelay $0x1  }
0x8a: {  	s1 =	srdreg.scid  }
0x8b: {  	s0 =	sand.u32 $0x1, s1  }
0x8c: {  	s17 =	sshll.u32 s0, $0xA;
	s2 =	sadd.s32 s3, s2  }
0x8d: {  	s2 =	sadd.s32 s2, s17  }
0x8e: {  	[smem:$0x3FC6] =	sst s2  }
0x8f: {  	_ = 	snop  }
0x90: {  	s2 =	sld [smem:$0x3FD0];
	(tm) =	ssettm $0x1  }
0x91: {  	s18 =	sld [smem:$0x3FFB];
	_ =	sdelay $0x3  }
0x92: {  	_ =	strace s18  }
0x93: {  	s3 =	sld [smem:$0x3FFC];
	_ =	sdelay $0x3  }
0x94: {  	_ =	strace s3  }
0x95: {  	s3 =	sld [smem:$0x3FFD];
	_ =	sdelay $0x3  }
0x96: {  	_ =	strace s3  }
0x97: {  	_ =	strace $0x8FFFFFFF  }
0x98: {  	s19 =	sld [smem:$0x3FDB];
	_ =	sdelay $0x1  }
0x99: {  	s4 =	simm.s32 $_scs_section_size  }
0x9a: {  	s5 =	simm.s32 $_size__tile_overlayer_lowered;
	s6 =	simm.s32 $_tile_overlayer_lowered  }
0x9b: {  	s22 =	simm.s32 $0x1BFF;
	s21 =	sshll.u32 s6, $0x1;
	s3 =	sadd.s32 s4, s19  }
0x9c: {  	s7 =	simm.s32 $0x0;
	s20 =	sshll.u32 s5, $0x1;
	s5 =	sadd.s32 s21, s3  }
0x9d: {  	[timem:s7], [sflag:s22] =	dma.local [hbm:s5], s20  }
0x9e: {  	_ =	swait.ge [sflag:s22], s20  }
0x9f: {  	s4 =	ssub.s32 $0x0, s20;
	[sflag:s22] =	ssyncset.done $0x0  }
0xa0: {  	[sflag:s22] =	ssyncadd.s32 s4;
	_ =	sdelay $0x1  }
0xa1: {  	s23 =	simm.s32 $0x1B8B  }
0xa2: {  	_ =	swait.ge [sflag:s23], $0x1  }
0xa3: {  	[sflag:s23] =	ssyncset.done $0x0  }
0xa4: {  	s25 =	simm.s32 $0x1B8E;
	s24 =	sld [smem:$0x3FFE];
	[sflag:s23] =	ssyncadd.s32 $0xFFFFFFFF  }
0xa5: {  	s26 =	simm.s32 $execute0_lowered;
	[smem:$0x3FD2] =	sst s25  }
0xa6: {  	s5 =	sshll.u32 s26, $0x1;
	_ =	strace $0x80000046;
	[dreg:$0x1] =	wrdreg $0xFFFFFFFF  }
0xa7: {  	s28 =	simm.s32 $_size_execute0_lowered;
	s3 =	sadd.s32 s3, s5;
	[dreg:$0x0] =	wrdreg $0x0  }
0xa8: {  	s5 =	sshll.u32 s28, $0x1;
	[dreg:$0x2] =	wrdreg s3  }
0xa9: {  	[dreg:$0x3] =	wrdreg s5  }
0xaa: {  	[dreg:$0x4] =	wrdreg $0xC0  }
0xab: {  	_ =	task [dreg:s7], $0x5FFFF  }
0xac: {  	[dreg:$0x1] =	wrdreg $0xFFFFFFFF  }
0xad: {  	[dreg:$0x0] =	wrdreg $0x60  }
0xae: {  	[dreg:$0x2] =	wrdreg s24  }
0xaf: {  	[dreg:$0x3] =	wrdreg s2  }
0xb0: {  	[dreg:$0x4] =	wrdreg $0x9  }
0xb1: {  	_ =	task.clear_ibuf [dreg:s7], $0x5FFFF;
	_ =	strace $0x90000046  }
0xb2: {  	s29 =	simm.s32 $0x9;
	_ =	strace $0x80000048  }
0xb3: {  	_ =	swait.ge [sflag:s29], $0x1  }
0xb4: {  	[sflag:s29] =	ssyncadd.s32 $0xFFFFFFFF  }
0xb5: {  	_ =	strace $0x90000048  }
0xb6: {  	_ =	sfence  }
0xb7: {  	s30 =	sld [smem:$0x0];
	_ =	sdelay $0x2  }
0xb8: {  	s31 =	sshll.u32 s1, $0xD;
	s1 =	sshrl.u32 s1, $0x2  }
0xb9: {  	s3 =	sand.u32 $0x4000, s31;
	s1 =	sadd.s32 s1, s30  }
0xba: {  	s0 =	sor.u32 s3, s0;
	s1 =	sshll.u32 s1, $0x11  }
0xbb: {  	s0 =	sor.u32 s1, s0  }
0xbc: {  	s0 =	sadd.s32 $0x8F2B, s0  }
0xbd: {  	[sflag:s0] =	ssyncadd.remote.s32 $0x1  }
0xbe: {  	_ =	sfence.sel $0xFFFF  }
0xbf: {  	[dreg:$0x0] =	wrdreg $0xFFFFFFFF;
	(pc) =	sbr.abs _section_cstart, $3  }
0xc0: {  	[dreg:$0x1] =	wrdreg $0xFFFFFFFF  }
0xc1: {  	_ =	task.clear_ibuf [dreg:s7], $0x2FFFF;
	_ =	strace $0x9FFFFFFF  }
0xc2: {  	(tm) =	ssettm $0x7FFFFFFF  }
0xc3: {  	_ =	shalt  }
tec
execute0_lowered:
.L_overlay_start_1:
0x0: {  	(tag) =	ssettag $0x1  }
0x1: {  	s0 =	srdreg.scid;
	s5 =	stileid.u32  }
0x2: {  	s4 =	rddreg [dreg:$0x0];
	s3 =	simm.s32 $0x0;
	s16 =	simm.s32 $0x68  }
0x3: {  	s28 =	simm.s32 $0xE600;
	s29 =	simm.s32 $0x3;
	s30 =	simm.s32 $0x10000  }
0x4: {  	s31 =	simm.s32 $0x4;
	s15 =	simm.s32 $0x8;
	s9 =	simm.s32 $0x0  }
0x5: {  	s0 =	sand.u32 $0x1, s0;
	s2 =	sshll.u32 s5, $0x7;
	s5 =	smul.u32 $0x190000, s5  }
0x6: {  	[smem:$0x7FF] =	sst s3;
	s1 =	sshll.u32 s0, $0xB;
	s17 =	smul.u32 $0x1900000, s0  }
0x7: {  	_ =	strace $0x80000047;
	s0 =	ssub.s32 $0x2, s0;
	s1 =	sor.u32 s2, s1  }
0x8: {  	s6 =	sshrl.u32 s0, $0x1;
	s1 =	smul.u32 $0x19, s1;
	s2 =	sadd.s32 s5, s17  }
0x9: {  	s0 =	ssub.s32 s0, s6;
	s5 =	simm.s32 $0x7;
	s6 =	simm.s32 $0xB  }
0xa: {  	s17 =	simm.s32 $0xC;
	s18 =	sor.u32 $0x9600, s2;
	s0 =	smax.u32 s0, $0x1  }
0xb: {  	s20 =	sor.u32 $0xB000, s2;
	s21 =	sor.u32 $0x6400, s2;
	s22 =	sor.u32 $0x7E00, s2  }
0xc: {  	s24 =	sor.u32 $0x3200, s2;
	s25 =	sor.u32 $0x4C00, s2;
	s26 =	sor.u32 $0x1A00, s2  }
0xd: {  	s14 =	sshrl.u32 s2, $0x3;
	s2 =	simm.s32 $0x9;
	s1 =	sadd.s32 s1, s4  }
0xe: {  	s4 =	sadd.s32 $0xF42E00, s4;
	[dreg:$0x4] =	wrdreg s0;
	s19 =	sshrl.u32 s18, $0x3  }
0xf: {  	s0 =	sshrl.u32 s20, $0x3;
	s23 =	sshrl.u32 s22, $0x3;
	s13 =	sshrl.u32 s26, $0x3  }
0x10: {  	s18 =	simm.s32 $0x60;
	s26 =	simm.s32 $0x2;
	[dreg:$0x5] =	wrdreg s19  }
0x11: {  	s20 =	simm.s32 $0x6;
	s22 =	simm.s32 $0xA;
	[dreg:$0x6] =	wrdreg s0  }
.Ltmp0:
0x12: {  	s1 =	sadd.s32 $0xA00, s1;
	[dreg:$0x8] =	wrdreg s23;
	(pc) =	sbr.rel .LBB2_1-.Ltmp0, $4  }
0x13: {  	s0 =	sshrl.u32 s21, $0x3;
	s23 =	simm.s32 $0xB200;
	[dreg:$0x3] =	wrdreg s1  }
0x14: {  	[dreg:$0x7] =	wrdreg s0;
	s0 =	sshrl.u32 s24, $0x3;
	s24 =	simm.s32 $0x1  }
0x15: {  	s1 =	simm.s32 $0x11A00;
	[dreg:$0x9] =	wrdreg s0;
	s0 =	sshrl.u32 s25, $0x3  }
0x16: {  	s25 =	simm.s32 $0xCC00;
	[dreg:$0xa] =	wrdreg s0;
	s0 =	simm.s32 $0x5  }
.LBB2_4:
0x17: {  	s7 =	simm.s32 $0xD  }
0x18: {  	_ =	swait.ge [sflag:s7], $0x1A00  }
0x19: {  	[sflag:s7] =	ssyncset.done $0x0  }
0x1a: {  	s12 =	simm.s32 $0xE;
	[sflag:s7] =	ssyncadd.s32 $0xFFFFE600  }
0x1b: {  	_ =	swait.ge [sflag:s12], $0x1800  }
0x1c: {  	[sflag:s12] =	ssyncset.done $0x0  }
0x1d: {  	s19 =	simm.s32 $0xF;
	[sflag:s12] =	ssyncadd.s32 $0xFFFFE800  }
0x1e: {  	_ =	swait.ge [sflag:s19], $0x1A00  }
0x1f: {  	[sflag:s19] =	ssyncset.done $0x0  }
0x20: {  	s8 =	simm.s32 $0x10;
	[sflag:s19] =	ssyncadd.s32 $0xFFFFE600  }
0x21: {  	_ =	swait.ge [sflag:s8], $0x1800  }
0x22: {  	s9 =	rddreg [dreg:$0xb]  }
0x23: {  	s21 =	rddreg [dreg:$0x4];
	s9 =	sadd.s32 $0x1, s9  }
0x24: {  	p0 =	sne.s32 s9, s21  }
.Ltmp1:
0x25: {  	_ = 	snop;
	(pc) =	sbr.rel @!p0 .LBB2_5-.Ltmp1, $3  }
0x26: {  	_ =	sdelay $0x1  }
0x27: {  	[sflag:s8] =	ssyncset.done $0x0  }
0x28: {  	[sflag:s8] =	ssyncadd.s32 $0xFFFFE800  }
.LBB2_1:
0x29: {  	[dreg:$0xb] =	wrdreg s9  }
0x2a: {  	s7 =	rddreg [dreg:$0x3];
	s10 =	simm.s32 $0x11  }
0x2b: {  	[tilespmem:s3], [sflag:$0x11] =	stream.linear.gather [hbm4b:s7+s3], $0x6400, $0x38;
	[tilespmem:$0x13400] =	vst v63  }
0x2c: {  	_ =	swait.ge [sflag:s10], $0x6400  }
0x2d: {  	[sflag:s10] =	ssyncset.done $0x0  }
0x2e: {  	s11 =	simm.s32 $0x6400;
	[sflag:s10] =	ssyncadd.s32 $0xFFFF9C00  }
0x2f: {  	[tilespmem:s11], [sflag:$0x1] =	stream.indirect.gather [hbm4b:s4+s16], $0x40, s3, s16, $0xb8;
	[tilespmem:$0x13400] =	vst v63  }
0x30: {  	s12 =	simm.s32 $0x7E00  }
0x31: {  	[tilespmem:s12], [sflag:$0x2] =	stream.indirect.gather [hbm4b:s4+s18], $0x40, s16, s18, $0xb8;
	[tilespmem:$0x13400] =	vst v63  }
0x32: {  	s19 =	simm.s32 $0xC8;
	s8 =	simm.s32 $0x9800  }
0x33: {  	[tilespmem:s8], [sflag:$0x3] =	stream.indirect.gather [hbm4b:s4+s16], $0x40, s19, s16, $0xb8;
	[tilespmem:$0x13400] =	vst v63  }
0x34: {  	s21 =	simm.s32 $0x130  }
0x35: {  	[tilespmem:s23], [sflag:$0x4] =	stream.indirect.gather [hbm4b:s4+s18], $0x40, s21, s18, $0xb8;
	[tilespmem:$0x13400] =	vst v63  }
0x36: {  	s19 =	rddreg [dreg:$0x1];
	s21 =	simm.s32 $0x0  }
.LBB2_2:
0x37: {  	_ =	swait.ge [sflag:s24], $0x1A00  }
0x38: {  	s7 =	sadd.s32 s19, s14;
	[sflag:s24] =	ssyncset.done $0x0  }
0x39: {  	s8 =	simm.s32 $0x6400;
	p0 =	seq.s32 s21, $0x0;
	[sflag:s24] =	ssyncadd.s32 $0xFFFFE600  }
0x3a: {  	[hbm4b:s7+s3] =	stream.linear.scatter [tilespmem:s8], [sflag:$0x9], $0x1A00, $0x38;
	[tilespmem:$0x13400] =	vst v63  }
0x3b: {  	s8 =	simm.s32 @!p0 $0xD  }
0x3c: {  	_ =	swait.ge @!p0 [sflag:s8], $0x1A00  }
0x3d: {  	s7 =	sshra.s32 s21, $0x2;
	[sflag:s8] =	ssyncset.done @!p0 $0x0  }
0x3e: {  	s11 =	sadd.s32 $0x190, s7;
	[sflag:s8] =	ssyncadd.s32 @!p0 $0xFFFFE600  }
0x3f: {  	[tilespmem:s25], [sflag:$0x5] =	stream.indirect.gather [hbm4b:s4+s16], $0x40, s11, s16, $0xb8;
	[tilespmem:$0x13400] =	vst v63  }
0x40: {  	_ =	swait.ge [sflag:s26], $0x1800  }
0x41: {  	s12 =	sadd.s32 s19, s13;
	[sflag:s26] =	ssyncset.done $0x0  }
0x42: {  	s9 =	simm.s32 $0x7E00;
	s8 =	simm.s32 @!p0 $0xE;
	[sflag:s26] =	ssyncadd.s32 $0xFFFFE800  }
0x43: {  	[hbm4b:s12+s3] =	stream.linear.scatter [tilespmem:s9], [sflag:$0xA], $0x1800, $0x38;
	[tilespmem:$0x13400] =	vst v63  }
0x44: {  	_ =	swait.ge @!p0 [sflag:s8], $0x1800  }
0x45: {  	[sflag:s8] =	ssyncset.done @!p0 $0x0  }
0x46: {  	s9 =	sadd.s32 $0x1F8, s7;
	[sflag:s8] =	ssyncadd.s32 @!p0 $0xFFFFE800  }
0x47: {  	[tilespmem:s28], [sflag:$0x6] =	stream.indirect.gather [hbm4b:s4+s18], $0x40, s9, s18, $0xb8;
	[tilespmem:$0x13400] =	vst v63  }
0x48: {  	_ =	swait.ge [sflag:s29], $0x1A00  }
0x49: {  	[sflag:s29] =	ssyncset.done $0x0;
	s10 =	rddreg [dreg:$0x9]  }
0x4a: {  	s11 =	simm.s32 $0x9800;
	[sflag:s29] =	ssyncadd.s32 $0xFFFFE600;
	s8 =	sadd.s32 s19, s10  }
0x4b: {  	[hbm4b:s8+s3] =	stream.linear.scatter [tilespmem:s11], [sflag:$0xB], $0x1A00, $0x38;
	[tilespmem:$0x13400] =	vst v63  }
0x4c: {  	s8 =	simm.s32 @!p0 $0xF  }
0x4d: {  	_ =	swait.ge @!p0 [sflag:s8], $0x1A00  }
0x4e: {  	[sflag:s8] =	ssyncset.done @!p0 $0x0  }
0x4f: {  	s12 =	sadd.s32 $0x258, s7;
	[sflag:s8] =	ssyncadd.s32 @!p0 $0xFFFFE600  }
0x50: {  	[tilespmem:s30], [sflag:$0x7] =	stream.indirect.gather [hbm4b:s4+s16], $0x40, s12, s16, $0xb8;
	[tilespmem:$0x13400] =	vst v63  }
0x51: {  	_ =	swait.ge [sflag:s31], $0x1800  }
0x52: {  	[sflag:s31] =	ssyncset.done $0x0;
	s9 =	rddreg [dreg:$0xa]  }
0x53: {  	[sflag:s31] =	ssyncadd.s32 $0xFFFFE800;
	s8 =	sadd.s32 s19, s9  }
0x54: {  	[hbm4b:s8+s3] =	stream.linear.scatter [tilespmem:s23], [sflag:$0xC], $0x1800, $0x38;
	[tilespmem:$0x13400] =	vst v63  }
0x55: {  	s8 =	simm.s32 @!p0 $0x10  }
0x56: {  	_ =	swait.ge @!p0 [sflag:s8], $0x1800  }
0x57: {  	[sflag:s8] =	ssyncset.done @!p0 $0x0  }
0x58: {  	s10 =	sadd.s32 $0x2C0, s7;
	[sflag:s8] =	ssyncadd.s32 @!p0 $0xFFFFE800  }
0x59: {  	[tilespmem:s1], [sflag:$0x8] =	stream.indirect.gather [hbm4b:s4+s18], $0x40, s10, s18, $0xb8;
	[tilespmem:$0x13400] =	vst v63  }
0x5a: {  	_ =	swait.ge [sflag:s0], $0x1A00  }
0x5b: {  	[sflag:s0] =	ssyncset.done $0x0;
	s11 =	rddreg [dreg:$0x7]  }
0x5c: {  	[sflag:s0] =	ssyncadd.s32 $0xFFFFE600;
	s8 =	sadd.s32 s19, s11  }
0x5d: {  	[hbm4b:s8+s3] =	stream.linear.scatter [tilespmem:s25], [sflag:$0xD], $0x1A00, $0x38;
	[tilespmem:$0x13400] =	vst v63  }
0x5e: {  	p0 =	seq.s32 s21, $0x18380;
	_ =	swait.ge [sflag:s2], $0x1A00  }
0x5f: {  	s10 =	simm.s32 @!p0 $0x68;
	s8 =	sshra.s32 @!p0 s21, $0x2;
	[sflag:s2] =	ssyncset.done $0x0  }
0x60: {  	s11 =	simm.s32 @!p0 $0x6400;
	s9 =	sadd.s32 @!p0 $0x320, s8;
	[sflag:s2] =	ssyncadd.s32 $0xFFFFE600  }
0x61: {  	[tilespmem:s11], [sflag:$0x1] =	stream.indirect.gather @!p0 [hbm4b:s4+s10], $0x40, s9, s10, $0xb8;
	[tilespmem:$0x13400] =	vst v63  }
0x62: {  	_ =	swait.ge [sflag:s20], $0x1800  }
0x63: {  	[sflag:s20] =	ssyncset.done $0x0;
	s12 =	rddreg [dreg:$0x8]  }
0x64: {  	[sflag:s20] =	ssyncadd.s32 $0xFFFFE800;
	s9 =	sadd.s32 s19, s12  }
0x65: {  	[hbm4b:s9+s3] =	stream.linear.scatter [tilespmem:s28], [sflag:$0xE], $0x1800, $0x38;
	[tilespmem:$0x13400] =	vst v63  }
0x66: {  	_ =	swait.ge [sflag:s22], $0x1800  }
0x67: {  	s11 =	simm.s32 @!p0 $0x60;
	[sflag:s22] =	ssyncset.done $0x0  }
0x68: {  	s12 =	simm.s32 @!p0 $0x7E00;
	s9 =	sadd.s32 @!p0 $0x388, s8;
	[sflag:s22] =	ssyncadd.s32 $0xFFFFE800  }
0x69: {  	[tilespmem:s12], [sflag:$0x2] =	stream.indirect.gather @!p0 [hbm4b:s4+s11], $0x40, s9, s11, $0xb8;
	[tilespmem:$0x13400] =	vst v63  }
0x6a: {  	_ =	swait.ge [sflag:s5], $0x1A00  }
0x6b: {  	[sflag:s5] =	ssyncset.done $0x0;
	s11 =	rddreg [dreg:$0x5]  }
0x6c: {  	[sflag:s5] =	ssyncadd.s32 $0xFFFFE600;
	s9 =	sadd.s32 s19, s11  }
0x6d: {  	[hbm4b:s9+s3] =	stream.linear.scatter [tilespmem:s30], [sflag:$0xF], $0x1A00, $0x38;
	[tilespmem:$0x13400] =	vst v63  }
0x6e: {  	_ =	swait.ge [sflag:s6], $0x1A00  }
0x6f: {  	[sflag:s6] =	ssyncset.done $0x0  }
0x70: {  	s8 =	sadd.s32 @!p0 $0x3E8, s8;
	s9 =	simm.s32 @!p0 $0x9800;
	[sflag:s6] =	ssyncadd.s32 $0xFFFFE600  }
0x71: {  	[tilespmem:s9], [sflag:$0x3] =	stream.indirect.gather @!p0 [hbm4b:s4+s10], $0x40, s8, s10, $0xb8;
	[tilespmem:$0x13400] =	vst v63  }
0x72: {  	_ =	swait.ge [sflag:s15], $0x1800  }
0x73: {  	[sflag:s15] =	ssyncset.done $0x0;
	s12 =	rddreg [dreg:$0x6]  }
.Ltmp2:
0x74: {  	[sflag:s15] =	ssyncadd.s32 $0xFFFFE800;
	s8 =	sadd.s32 s19, s12;
	(pc) =	sbr.rel @p0 .LBB2_4-.Ltmp2, $4  }
0x75: {  	[hbm4b:s8+s3] =	stream.linear.scatter [tilespmem:s1], [sflag:$0x10], $0x1800, $0x38;
	[tilespmem:$0x13400] =	vst v63  }
0x76: {  	_ =	swait.ge [sflag:s17], $0x1800  }
0x77: {  	[sflag:s17] =	ssyncset.done $0x0  }
0x78: {  	[sflag:s17] =	ssyncadd.s32 $0xFFFFE800  }
.Ltmp3:
0x79: {  	(pc) =	sbr.rel .LBB2_2-.Ltmp3, $3  }
0x7a: {  	_ =	sdelay $0x1  }
0x7b: {  	s7 =	sadd.s32 $0x450, s7;
	s21 =	sadd.s32 $0xC80, s21;
	s19 =	sadd.s32 $0x1900, s19  }
0x7c: {  	[tilespmem:s23], [sflag:$0x4] =	stream.indirect.gather [hbm4b:s4+s18], $0x40, s7, s18, $0xb8;
	[tilespmem:$0x13400] =	vst v63  }
.LBB2_5:
0x7d: {  	_ =	sfence.sel $0x180000  }
0x7e: {  	[bflag:$0x0] =	sbarrier.arrive $0xFFFF  }
0x7f: {  	_ =	strace $0x90000047  }
0x80: {  	s0 =	stileid.u32;
	[bflag:$0x2] =	sbarrier.arrive $0xFFFF  }
0x81: {  	p0 =	sne.s32 s0, $0x0;
	s0 =	rddreg [dreg:$0x2]  }
0x82: {  	s0 =	sadd.s32 @!p0 $0x100000, s0  }
0x83: {  	[sflag:s0] =	ssyncadd.tile.s32 @!p0 $0x1;
	_ =	shalt  }
.Lfunc_end2:
_tile_overlayer_lowered:
.L_overlay_start_2:
0x84: {  	(tag) =	ssettag $0x2  }
0x85: {  	s0 =	rddreg [dreg:$0x0];
	s2 =	stileid.u32  }
0x86: {  	s1 =	rddreg [dreg:$0x1];
	p0 =	sne.s32 s2, $0x0  }
0x87: {  	s3 =	rddreg [dreg:$0x2];
	[bflag:$0x3] =	sbarrier.arrive $0xFFFF;
	s2 =	simm.s32 @!p0 $0x1C11  }
0x88: {  	[timem:s3], [sflag:s2] =	dma.local @!p0 [hbm:s0], s1  }
0x89: {  	s0 =	simm.s32 @!p0 $0x11  }
0x8a: {  	_ =	swait.ge @!p0 [sflag:s0], s1  }
0x8b: {  	s1 =	ssub.s32 @!p0 $0x0, s1;
	[sflag:s0] =	ssyncset.done @!p0 $0x0  }
0x8c: {  	[sflag:s0] =	ssyncadd.s32 @!p0 s1  }
0x8d: {  	[bflag:$0x3] =	sbarrier.arrive $0xFFFF  }
0x8e: {  	_ =	shalt  }

// kernel: sparse-core-data-format-call.cloned.1.call-start
scs
called_computation_lowered:
.L_overlay_start_0:
0x0: {  	s2 =	sld [smem:$0x3FD9]  }
0x1: {  	s3 =	sld [smem:$0x3FFE];
	_ =	sdelay $0x1  }
0x2: {  	s1 =	srdreg.scid  }
0x3: {  	s0 =	sand.u32 $0x1, s1  }
0x4: {  	s18 =	sshll.u32 s0, $0xA;
	s2 =	sadd.s32 s3, s2  }
0x5: {  	s2 =	sadd.s32 s2, s18  }
0x6: {  	[smem:$0x3FC6] =	sst s2  }
0x7: {  	_ = 	snop  }
0x8: {  	s2 =	sld [smem:$0x3FD0];
	(tm) =	ssettm $0x1  }
0x9: {  	s19 =	sld [smem:$0x3FFB];
	_ =	sdelay $0x3  }
0xa: {  	_ =	strace s19  }
0xb: {  	s3 =	sld [smem:$0x3FFC];
	_ =	sdelay $0x3  }
0xc: {  	_ =	strace s3  }
0xd: {  	s3 =	sld [smem:$0x3FFD];
	_ =	sdelay $0x3  }
0xe: {  	_ =	strace s3  }
0xf: {  	_ =	strace $0x8FFFFFFF  }
0x10: {  	s20 =	sld [smem:$0x3FDB];
	_ =	sdelay $0x1  }
0x11: {  	s4 =	simm.s32 $_scs_section_size  }
0x12: {  	s5 =	simm.s32 $_size__tile_overlayer_lowered;
	s6 =	simm.s32 $_tile_overlayer_lowered  }
0x13: {  	s23 =	simm.s32 $0x1BFF;
	s22 =	sshll.u32 s6, $0x1;
	s3 =	sadd.s32 s4, s20  }
0x14: {  	s7 =	simm.s32 $0x0;
	s21 =	sshll.u32 s5, $0x1;
	s5 =	sadd.s32 s22, s3  }
0x15: {  	[timem:s7], [sflag:s23] =	dma.local [hbm:s5], s21  }
0x16: {  	_ =	swait.ge [sflag:s23], s21  }
0x17: {  	s4 =	ssub.s32 $0x0, s21;
	[sflag:s23] =	ssyncset.done $0x0  }
0x18: {  	[sflag:s23] =	ssyncadd.s32 s4;
	_ =	sdelay $0x1  }
0x19: {  	s24 =	simm.s32 $0x1B8B  }
0x1a: {  	_ =	swait.ge [sflag:s24], $0x1  }
0x1b: {  	[sflag:s24] =	ssyncset.done $0x0  }
0x1c: {  	s26 =	simm.s32 $0x1B8E;
	s25 =	sld [smem:$0x3FFE];
	[sflag:s24] =	ssyncadd.s32 $0xFFFFFFFF  }
0x1d: {  	s27 =	simm.s32 $execute0_lowered;
	[smem:$0x3FD2] =	sst s26  }
0x1e: {  	s5 =	sshll.u32 s27, $0x1;
	_ =	strace $0x80000049;
	[dreg:$0x1] =	wrdreg $0xFFFFFFFF  }
0x1f: {  	s28 =	simm.s32 $_size_execute0_lowered;
	s3 =	sadd.s32 s3, s5;
	[dreg:$0x0] =	wrdreg $0x0  }
0x20: {  	s5 =	sshll.u32 s28, $0x1;
	[dreg:$0x2] =	wrdreg s3  }
0x21: {  	[dreg:$0x3] =	wrdreg s5  }
0x22: {  	[dreg:$0x4] =	wrdreg $0xC0  }
0x23: {  	_ =	task [dreg:s7], $0x5FFFF  }
0x24: {  	[dreg:$0x1] =	wrdreg $0xFFFFFFFF  }
0x25: {  	[dreg:$0x0] =	wrdreg $0x60  }
0x26: {  	[dreg:$0x2] =	wrdreg s25  }
0x27: {  	[dreg:$0x3] =	wrdreg s2  }
0x28: {  	[dreg:$0x4] =	wrdreg $0x9  }
0x29: {  	_ =	task.clear_ibuf [dreg:s7], $0x5FFFF;
	_ =	strace $0x90000049  }
0x2a: {  	s29 =	simm.s32 $0x9;
	_ =	strace $0x8000004B  }
0x2b: {  	_ =	swait.ge [sflag:s29], $0x1  }
0x2c: {  	[sflag:s29] =	ssyncadd.s32 $0xFFFFFFFF  }
0x2d: {  	_ =	strace $0x9000004B  }
0x2e: {  	_ =	sfence  }
0x2f: {  	s30 =	sld [smem:$0x0];
	_ =	sdelay $0x2  }
0x30: {  	s31 =	sshll.u32 s1, $0xD;
	s1 =	sshrl.u32 s1, $0x2  }
0x31: {  	s3 =	sand.u32 $0x4000, s31;
	s1 =	sadd.s32 s1, s30  }
0x32: {  	s0 =	sor.u32 s3, s0;
	s1 =	sshll.u32 s1, $0x11  }
0x33: {  	s0 =	sor.u32 s1, s0  }
0x34: {  	s0 =	sadd.s32 $0x8F2B, s0  }
0x35: {  	[sflag:s0] =	ssyncadd.remote.s32 $0x1  }
0x36: {  	_ =	sfence.sel $0xFFFF  }
0x37: {  	[dreg:$0x0] =	wrdreg $0xFFFFFFFF;
	(pc) =	sbr.abs _section_cstart, $3  }
0x38: {  	[dreg:$0x1] =	wrdreg $0xFFFFFFFF  }
0x39: {  	_ =	task.clear_ibuf [dreg:s7], $0x2FFFF;
	_ =	strace $0x9FFFFFFF  }
0x3a: {  	(tm) =	ssettm $0x7FFFFFFF  }
0x3b: {  	_ =	shalt  }
tec
execute0_lowered:
.L_overlay_start_1:
0x0: {  	(tag) =	ssettag $0x1  }
0x1: {  	s0 =	srdreg.scid  }
0x2: {  	s1 =	sshll.u32 s0, $0x4  }
0x3: {  	s0 =	stileid.u32;
	s1 =	sand.u32 $0x10, s1  }
0x4: {  	s1 =	sor.u32 s0, s1  }
0x5: {  	s6 =	rddreg [dreg:$0x0];
	s4 =	simm.s32 $0x1;
	s2 =	sshll.u32 s1, $0x7  }
0x6: {  	s7 =	simm.s32 $0x2;
	s12 =	simm.s32 $0x0;
	s1 =	ssub.s32 $0x1000, s2  }
0x7: {  	s8 =	simm.s32 $0x8000;
	s13 =	simm.s32 $0x0;
	s3 =	sand.u32 $0xF80, s1  }
0x8: {  	s9 =	simm.s32 $0x0;
	s5 =	sshrl.u32 s1, $0xC;
	p0 =	sne.s32 s3, $0x0  }
.Ltmp0:
0x9: {  	s1 =	rddreg [dreg:$0x2];
	s4 =	simm.s32 @!p0 $0x0;
	(pc) =	sbr.rel .LBB1_1-.Ltmp0, $4  }
0xa: {  	s11 =	simm.s32 $0x0;
	s3 =	rddreg [dreg:$0x1];
	s5 =	sadd.s32 s4, s5  }
0xb: {  	_ =	strace $0x8000004A;
	s4 =	simm.s32 $0x1;
	s5 =	smul.u32 $0xC8, s5  }
0xc: {  	s6 =	sadd.s32 $0xA00, s6;
	s10 =	smov.u32 s2;
	[sflag:s4] =	ssyncpa.u1 $0x0  }
0xd: {  	p0 =	por $0x0, $0x0;
	[sflag:s7] =	ssyncpa.u1 $0x0;
	s7 =	sor.u32 $0x1, s5  }
.LBB1_4:
0xe: {  	s16 =	sshll.u32 s13, $0x3;
	s17 =	sand.u32 $0x78, s13  }
0xf: {  	s30 =	sand.u32 $0x7E00, s13;
	s12 =	sshll.u32 s12, $0xF;
	s16 =	sand.u32 $0xC00, s16  }
0x10: {  	[tilespmem:s15+$0x810 ss:$0x81] =	vst.msk $0xffff, v2;
	s31 =	sand.u32 $0x7, s13;
	s16 =	sor.u32 s17, s16;
	s17 =	sadd.s32 s3, s30  }
0x11: {  	[tilespmem:s15+$0x1020 ss:$0x81] =	vst.msk $0xffff, v0;
	s13 =	sshll.u32 s31, $0x12;
	s12 =	sadd.s32 s12, s17;
	s16 =	sshrl.u32 s16, $0x3  }
0x12: {  	[tilespmem:s15+$0x0 ss:$0x81] =	vst.msk $0xffff, v1;
	s13 =	sor.u32 $0x400, s13;
	s12 =	sadd.s32 s16, s12  }
0x13: {  	[hbm4b:s12+s13] =	stream.strided.scatter [tilespmem:s14], [sflag:$0x2], $0x2000, s8, s13, $0x20;
	[tilespmem:$0x8080] =	vst v63  }
.LBB1_5:
0x14: {  	s14 =	sadd.s32 $0x1, s9  }
0x15: {  	s12 =	sadd.s32 $0x1000, s10;
	s16 =	smov.u32 s10;
	p2 =	sgt.s32 s14, $0xC7  }
0x16: {  	s16 =	smov.u32 @p2 s12  }
0x17: {  	s14 =	simm.s32 @p2 $0x0;
	p2 =	sgt.s32 s16, $0xFFF  }
0x18: {  	s16 =	smov.u32 @p2 s2;
	p2 =	sne.s32 s11, s7  }
.Ltmp1:
0x19: {  	p1 =	slt.u32 s11, $0x2;
	(pc) =	sbr.rel @!p2 .LBB1_6-.Ltmp1, $4  }
0x1a: {  	s15 =	simm.s32 @!p1 $0x2  }
0x1b: {  	s13 =	smov.u32 s10;
	p0 =	por !p0, !p0;
	_ =	swait.ge @!p1 [sflag:s15], $0x2000  }
0x1c: {  	s12 =	smov.u32 s9;
	[sflag:s15] =	ssyncset.done @!p1 $0x0;
	s9 =	smov.u32 s14  }
0x1d: {  	s11 =	sadd.s32 $0x1, s11;
	[sflag:s15] =	ssyncadd.s32 @!p1 $0xFFFFE000;
	s10 =	smov.u32 s16  }
.LBB1_1:
0x1e: {  	p1 =	sge.u32 s11, s5  }
0x1f: {  	s14 =	sand.u32 @!p1 $0x1FFFFFF, s9  }
0x20: {  	s15 =	smulhi.u32 @!p1 $0x147AE15, s14;
	_ =	sdelay $0x1  }
0x21: {  	s15 =	smul.u32 @!p1 $0xC8, s15  }
0x22: {  	s16 =	sxor.u32 @!p1 $0xFFFFFFFF, s11;
	s17 =	smul.u32 @!p1 $0xC80, s10  }
0x23: {  	s31 =	sadd.s32 $0xFFFFFFFF, s11;
	s16 =	sshll.u32 @!p1 s16, $0xD;
	s14 =	ssub.s32 @!p1 s14, s15  }
0x24: {  	s15 =	sand.u32 @!p1 $0x2000, s16;
	s16 =	sadd.s32 @!p1 s6, s17;
	s14 =	sshll.u32 @!p1 s14, $0x4  }
0x25: {  	s17 =	simm.s32 @!p1 $0x6400;
	s14 =	sadd.s32 @!p1 s14, s16;
	s16 =	simm.s32 @!p1 $0x40  }
0x26: {  	[tilespmem:s15], [sflag:$0x1] =	stream.strided.gather @!p1 [hbm4b:s14+s16], $0x2000, s17, s16, $0x38;
	[tilespmem:$0x8080] =	vst v63  }
0x27: {  	p1 =	sge.u32 s31, s5  }
.Ltmp2:
0x28: {  	_ = 	snop;
	(pc) =	sbr.rel @p1 .LBB1_5-.Ltmp2, $1  }
0x29: {  	_ =	sdelay $0x3  }
0x2a: {  	s14 =	simm.s32 $0x1  }
0x2b: {  	_ =	swait.ge [sflag:s4], $0x2000;
	s14 =	simm.s32 @!p0 $0x0  }
0x2c: {  	[sflag:s4] =	ssyncset.done $0x0;
	s15 =	sshll.u32 s14, $0xD  }
0x2d: {  	[sflag:s4] =	ssyncadd.s32 $0xFFFFE000;
	s18 =	sor.u32 $0x20, s15  }
0x2e: {  	s14 =	smul.u32 $0x8100, s14;
	v3 =	vld [tilespmem:s18+$0x10]  }
0x2f: {  	s30 =	sand.u32 $0x1, s11;
	v2 =	vld [tilespmem:s18+$0xFFFFFFF0]  }
0x30: {  	s15 =	smul.u32 $0x8100, s30;
	s14 =	sshrl.u32 s14, $0x2;
	v0 =	vld [tilespmem:s18+$0x0]  }
0x31: {  	v1 =	vld [tilespmem:s18+$0xFFFFFFE0];
	s16 =	sor.u32 $0x4000, s14  }
0x32: {  	s31 =	sshrl.u32 s15, $0x2;
	s15 =	sadd.s32 $0x0, s16  }
0x33: {  	s17 =	simm.s32 $0x4;
	s18 =	sadd.s32 $0x40, s18;
	s14 =	sor.u32 $0x4000, s31;
	[tilespmem:s15+$0x1830 ss:$0x81] =	vst.msk $0xffff, v3  }
.LBB1_3:
0x34: {  	v3 =	vld [tilespmem:s18+$0x10];
	p1 =	sne.s32 s17, $0x1FC;
	[tilespmem:s15+$0x810 ss:$0x81] =	vst.msk $0xffff, v2;
	s19 =	smov.u32 s17;
	s17 =	sadd.s32 $0x4, s17  }
.Ltmp3:
0x35: {  	v2 =	vld [tilespmem:s18+$0xFFFFFFF0];
	[tilespmem:s15+$0x1020 ss:$0x81] =	vst.msk $0xffff, v0;
	(pc) =	sbr.rel @p1 .LBB1_3-.Ltmp3, $4  }
0x36: {  	v0 =	vld [tilespmem:s18+$0x0];
	[tilespmem:s15+$0x0 ss:$0x81] =	vst.msk $0xffff, v1  }
0x37: {  	s15 =	sshra.s32 s19, $0x2;
	v1 =	vld [tilespmem:s18+$0xFFFFFFE0]  }
0x38: {  	s15 =	sadd.s32 s15, s16  }
0x39: {  	s18 =	sadd.s32 $0x40, s18;
	[tilespmem:s15+$0x1830 ss:$0x81] =	vst.msk $0xffff, v3  }
.Ltmp4:
0x3a: {  	_ = 	snop;
	(pc) =	sbr.rel .LBB1_4-.Ltmp4, $1  }
0x3b: {  	_ =	sdelay $0x3  }
.LBB1_6:
0x3c: {  	_ =	sfence.sel $0x180000  }
0x3d: {  	s2 =	simm.s32 $0x1;
	[bflag:$0x0] =	sbarrier.arrive $0xFFFF  }
0x3e: {  	s31 =	simm.s32 $0x2;
	[sflag:s2] =	ssyncpa.u1 $0x1  }
0x3f: {  	[sflag:s31] =	ssyncpa.u1 $0x1  }
0x40: {  	p0 =	sne.s32 s0, $0x0;
	_ =	strace $0x9000004A  }
0x41: {  	s0 =	sadd.s32 @!p0 $0x100000, s1;
	[bflag:$0x2] =	sbarrier.arrive $0xFFFF  }
0x42: {  	[sflag:s0] =	ssyncadd.tile.s32 @!p0 $0x1;
	_ =	shalt  }
.Lfunc_end1:
_tile_overlayer_lowered:
.L_overlay_start_2:
0x43: {  	(tag) =	ssettag $0x2  }
0x44: {  	s0 =	rddreg [dreg:$0x0];
	s2 =	stileid.u32  }
0x45: {  	s1 =	rddreg [dreg:$0x1];
	p0 =	sne.s32 s2, $0x0  }
0x46: {  	s3 =	rddreg [dreg:$0x2];
	[bflag:$0x3] =	sbarrier.arrive $0xFFFF;
	s2 =	simm.s32 @!p0 $0x1C01  }
0x47: {  	[timem:s3], [sflag:s2] =	dma.local @!p0 [hbm:s0], s1  }
0x48: {  	s0 =	simm.s32 @!p0 $0x1  }
0x49: {  	_ =	swait.ge @!p0 [sflag:s0], s1  }
0x4a: {  	s1 =	ssub.s32 @!p0 $0x0, s1;
	[sflag:s0] =	ssyncset.done @!p0 $0x0  }
0x4b: {  	[sflag:s0] =	ssyncadd.s32 @!p0 s1  }
0x4c: {  	[bflag:$0x3] =	sbarrier.arrive $0xFFFF  }
0x4d: {  	_ =	shalt  }

</sc_bundles>
